<compile_context>
chip_gen: v7x
topology: tpu7x:2x2x1
jax: 0.10.2.dev20260603
libtpu: 0.0.44.dev20260713+nightly
codegen_flags: <defaults>
</compile_context>

<pallas_src>
import functools

import jax
import jax.numpy as jnp
from jax import lax
from jax.experimental import pallas as pl
from jax.experimental.pallas import tpu as pltpu
from jax.experimental.pallas import tpu_sc as plsc

N = 10000
E = 160000
D = 256
HALF = 128

NC = 2
NS = 16
NW = NC * NS

B = 128
EP = 163840
NB1 = EP // (NW * B)
NB3 = EP // (NS * B)
NPAD = 10112
STRIPE = NPAD // NS

_mesh = plsc.VectorSubcoreMesh(core_axis_name="c", subcore_axis_name="s")


@functools.partial(
    pl.kernel,
    out_type=jax.ShapeDtypeStruct((NC, NPAD, HALF), jnp.float32),
    mesh=_mesh,
    scratch_types=[
        pltpu.VMEM((NB1, B), jnp.int32),
        pltpu.VMEM((B, HALF), jnp.float32),
        pltpu.SemaphoreType.DMA,
        pltpu.VMEM_SHARED((NPAD, HALF), jnp.float32),
    ],
)
def _sc_hist(col_hbm, zero_hbm, one_hbm, out_hbm, col_v, ones_v, ssem, hist_sh):
    c = lax.axis_index("c")
    s = lax.axis_index("s")
    w = c * NS + s
    pltpu.sync_copy(zero_hbm, hist_sh.at[pl.ds(s * STRIPE, STRIPE)])
    pltpu.sync_copy(one_hbm, ones_v)
    pltpu.sync_copy(col_hbm.at[w], col_v)
    plsc.subcore_barrier()

    def body(j, carry):
        pltpu.async_copy(ones_v, hist_sh.at[col_v.at[j]], ssem, add=True)
        return carry

    lax.fori_loop(0, NB1, body, 0)

    def drain(j, carry):
        pltpu.make_async_copy(ones_v, hist_sh.at[col_v.at[j]], ssem).wait()
        return carry

    lax.fori_loop(0, NB1, drain, 0)
    plsc.subcore_barrier()
    pltpu.sync_copy(hist_sh.at[pl.ds(s * STRIPE, STRIPE)],
                    out_hbm.at[c, pl.ds(s * STRIPE, STRIPE)])


@functools.partial(
    pl.kernel,
    out_type=jax.ShapeDtypeStruct((NC, NPAD, HALF), jnp.float32),
    mesh=_mesh,
    scratch_types=[
        pltpu.VMEM((NB3 // 2, B), jnp.int32),
        pltpu.VMEM((NB3 // 2, B), jnp.int32),
        pltpu.VMEM((B, HALF), jnp.float32),
        pltpu.VMEM((B, HALF), jnp.float32),
        pltpu.SemaphoreType.DMA,
        pltpu.VMEM_SHARED((NPAD, HALF), jnp.float32),
    ],
)
def _sc_agg(g2_hbm, row_hbm, col_hbm, zero_hbm, out_hbm,
            row_v, col_v, rows0_v, rows1_v, gsem, acc_sh):
    c = lax.axis_index("c")
    s = lax.axis_index("s")
    NBC = NB3 // 2
    pltpu.sync_copy(zero_hbm, acc_sh.at[pl.ds(s * STRIPE, STRIPE)])
    plsc.subcore_barrier()

    HB = B // 4

    def _gather(j, buf):
        for q in range(4):
            pltpu.async_copy(g2_hbm.at[row_v.at[j, pl.ds(q * HB, HB)]],
                             buf.at[pl.ds(q * HB, HB)], gsem)

    def _gwait(j, buf):
        pltpu.make_async_copy(g2_hbm.at[row_v.at[j]], buf, gsem).wait()

    def chunk(h, carry):
        pltpu.sync_copy(row_hbm.at[c, s, pl.ds(h * NBC, NBC)], row_v)
        pltpu.sync_copy(col_hbm.at[s, pl.ds(h * NBC, NBC)], col_v)
        _gather(0, rows0_v)

        def body(i, carry2):
            j0 = 2 * i
            _gwait(j0, rows0_v)
            _gather(j0 + 1, rows1_v)
            pltpu.sync_copy(rows0_v, acc_sh.at[col_v.at[j0]], add=True)
            _gwait(j0 + 1, rows1_v)

            @pl.when(i + 1 < NBC // 2)
            def _():
                _gather(j0 + 2, rows0_v)

            pltpu.sync_copy(rows1_v, acc_sh.at[col_v.at[j0 + 1]], add=True)
            return carry2

        return lax.fori_loop(0, NBC // 2, body, carry)

    lax.fori_loop(0, 2, chunk, 0)
    plsc.subcore_barrier()
    pltpu.sync_copy(acc_sh.at[pl.ds(s * STRIPE, STRIPE)],
                    out_hbm.at[c, pl.ds(s * STRIPE, STRIPE)])


def _tc_prescale_body(x_ref, w_ref, hist_ref, g2_ref):
    h = jnp.dot(x_ref[...], w_ref[...], preferred_element_type=jnp.float32)
    deg = 1.0 + hist_ref[0, :, 0] + hist_ref[1, :, 0]
    dinv = lax.rsqrt(deg)[:, None]
    g = h * dinv
    g2_ref[0] = g[:, :HALF]
    g2_ref[1] = g[:, HALF:]


def _tc_post_body(x_ref, g2_ref, agg_ref, hist_ref, b_ref, mn_ref,
                  gnw_ref, gnb_ref, gnm_ref, out_ref, hh_sc, stat_sc,
                  *, nrow):
    p = pl.program_id(0)
    i = pl.program_id(1)

    @pl.when(p == 0)
    def _phase0():
        x = x_ref[...]
        deg = 1.0 + hist_ref[0, :, 0] + hist_ref[1, :, 0]
        dinv = lax.rsqrt(deg)[:, None]
        g = jnp.concatenate([g2_ref[0], g2_ref[1]], axis=1)
        agg = jnp.concatenate([agg_ref[0], agg_ref[1]], axis=1)
        conv = dinv * (agg + g) + b_ref[...]
        cn = jnp.sqrt(jnp.sum(conv * conv, axis=1, keepdims=True))
        msg_n = conv / jnp.maximum(cn, 1e-12)
        xn = jnp.sqrt(jnp.sum(x * x, axis=1, keepdims=True))
        hh = x + msg_n * xn * mn_ref[0, 0]
        hh_sc[pl.ds(i * nrow, nrow), :] = hh
        stats = jnp.concatenate([jnp.sum(hh, axis=0, keepdims=True),
                                 jnp.sum(hh * hh, axis=0, keepdims=True)],
                                axis=0)

        @pl.when(i == 0)
        def _init():
            stat_sc[...] = stats

        @pl.when(i > 0)
        def _acc():
            stat_sc[...] += stats

    @pl.when(p == 1)
    def _phase1():
        hh = hh_sc[pl.ds(i * nrow, nrow), :]
        mean = stat_sc[0:1, :] * (1.0 / N)
        e2 = stat_sc[1:2, :] * (1.0 / N)
        sm = gnm_ref[...] * mean
        var = e2 - 2.0 * sm * mean + sm * sm
        cent = hh - sm
        y = gnw_ref[...] * (cent * lax.rsqrt(var + 1e-5)) + gnb_ref[...]
        out_ref[...] = 0.5 * y * (1.0 + lax.erf(y * 0.7071067811865476))


def kernel(X, edge_index, W, b, mn_scale, gn_weight, gn_bias, gn_mean_scale):
    ei = edge_index.astype(jnp.int32)
    row = jnp.concatenate([ei[0], jnp.zeros((EP - E,), jnp.int32)])
    col = jnp.concatenate([ei[1], jnp.full((EP - E,), N, jnp.int32)])

    col1 = col.reshape(NW, NB1, B)
    col3 = col.reshape(NS, NB3, B)
    row3 = (row[None, :] + jnp.array([0, N], jnp.int32)[:, None]).reshape(
        NC, NS, NB3, B)

    one128 = jnp.ones((B, HALF), jnp.float32)
    zero128 = jnp.zeros((STRIPE, HALF), jnp.float32)

    hist = _sc_hist(col1, zero128, one128)

    nrow = 1000
    grid = N // nrow
    g2 = pl.pallas_call(
        _tc_prescale_body,
        grid=(grid,),
        in_specs=[
            pl.BlockSpec((nrow, D), lambda i: (i, 0)),
            pl.BlockSpec((D, D), lambda i: (0, 0)),
            pl.BlockSpec((NC, nrow, HALF), lambda i: (0, i, 0)),
        ],
        out_specs=pl.BlockSpec((NC, nrow, HALF), lambda i: (0, i, 0)),
        out_shape=jax.ShapeDtypeStruct((NC, N, HALF), jnp.float32),
    )(X, W, hist)

    agg = _sc_agg(g2.reshape(NC * N, HALF), row3, col3, zero128)

    out = pl.pallas_call(
        functools.partial(_tc_post_body, nrow=nrow),
        grid=(2, grid),
        in_specs=[
            pl.BlockSpec((nrow, D), lambda p, i: ((1 - p) * i, 0)),
            pl.BlockSpec((NC, nrow, HALF), lambda p, i: (0, (1 - p) * i, 0)),
            pl.BlockSpec((NC, nrow, HALF), lambda p, i: (0, (1 - p) * i, 0)),
            pl.BlockSpec((NC, nrow, HALF), lambda p, i: (0, (1 - p) * i, 0)),
            pl.BlockSpec((1, D), lambda p, i: (0, 0)),
            pl.BlockSpec((1, 1), lambda p, i: (0, 0)),
            pl.BlockSpec((1, D), lambda p, i: (0, 0)),
            pl.BlockSpec((1, D), lambda p, i: (0, 0)),
            pl.BlockSpec((1, D), lambda p, i: (0, 0)),
        ],
        out_specs=pl.BlockSpec((nrow, D), lambda p, i: (p * i, 0)),
        out_shape=jax.ShapeDtypeStruct((N, D), jnp.float32),
        scratch_shapes=[
            pltpu.VMEM((N, D), jnp.float32),
            pltpu.VMEM((2, D), jnp.float32),
        ],
    )(X, g2, agg, hist, b.reshape(1, D), mn_scale.reshape(1, 1),
      gn_weight.reshape(1, D), gn_bias.reshape(1, D),
      gn_mean_scale.reshape(1, D))
    return out

# --- scband reference (transcript-rebuilt; emitter-appended) ---
"""Pipeline reference for scband-gcnchain-46892452938041 (READ-ONLY COPY).

The authoritative reference and input builder live on the scoring server;
editing this copy changes nothing except your own understanding.
"""

import jax, jax.numpy as jnp
import numpy as np

N_NODES = 10000
N_EDGES = 160000
DIM = 256


def setup_inputs(seed: int = 0) -> dict:
    key = jax.random.key(seed)
    ks = jax.random.split(key, 8)
    X = jax.random.normal(ks[0], (N_NODES, DIM), dtype=jnp.float32)
    edge_index = jax.random.randint(ks[1], (2, N_EDGES), 0, N_NODES, dtype=jnp.int64)
    # GCNConv params: Linear(in, out, bias=False) weight + separate bias
    W = jax.random.normal(ks[2], (DIM, DIM), dtype=jnp.float32) * (1.0 / np.sqrt(DIM))
    b = jnp.zeros((DIM,), dtype=jnp.float32)
    # MessageNorm learnable scale (init 1.0)
    mn_scale = jnp.ones((1,), dtype=jnp.float32)
    # GraphNorm params (weight=1, bias=0, mean_scale=1)
    gn_weight = jnp.ones((DIM,), dtype=jnp.float32)
    gn_bias = jnp.zeros((DIM,), dtype=jnp.float32)
    gn_mean_scale = jnp.ones((DIM,), dtype=jnp.float32)
    return {"X": X, "edge_index": edge_index, "W": W, "b": b,
            "mn_scale": mn_scale, "gn_weight": gn_weight,
            "gn_bias": gn_bias, "gn_mean_scale": gn_mean_scale}


def _gcn_conv(X, edge_index, W, b):
    N = X.shape[0]
    row = edge_index[0]
    col = edge_index[1]
    # add self-loops
    loop = jnp.arange(N, dtype=edge_index.dtype)
    row = jnp.concatenate([row, loop])
    col = jnp.concatenate([col, loop])
    # symmetric normalization: deg computed at dst (col)
    deg = jnp.zeros((N,), dtype=X.dtype).at[col].add(1.0)
    deg_inv_sqrt = jnp.where(deg > 0, deg ** -0.5, 0.0)
    norm = deg_inv_sqrt[row] * deg_inv_sqrt[col]
    h = X @ W
    msg = h[row] * norm[:, None]
    out = jnp.zeros((N, W.shape[1]), dtype=X.dtype).at[col].add(msg)
    return out + b


def _message_norm(x, msg, scale):
    # F.normalize(msg, p=2, dim=-1)
    n = jnp.linalg.norm(msg, axis=-1, keepdims=True)
    msg_n = msg / jnp.maximum(n, 1e-12)
    x_norm = jnp.linalg.norm(x, axis=-1, keepdims=True)
    return msg_n * x_norm * scale


def _graph_norm(x, weight, bias, mean_scale, eps=1e-5):
    # single graph (batch = all zeros)
    mean = jnp.mean(x, axis=0, keepdims=True)
    out = x - mean_scale * mean
    var = jnp.mean(out * out, axis=0, keepdims=True)
    out = out / jnp.sqrt(var + eps)
    return weight * out + bias


def reference(X, edge_index, W, b, mn_scale, gn_weight, gn_bias, gn_mean_scale):
    conv_out = _gcn_conv(X, edge_index, W, b)
    skip = _message_norm(X, conv_out, mn_scale)
    h = skip + X
    h = _graph_norm(h, gn_weight, gn_bias, gn_mean_scale)
    return jax.nn.gelu(h, approximate=False)

if __name__ == "__main__":
    import jax
    _d = setup_inputs()
    print(jax.jit(kernel)(*tuple(_d.values())))

</pallas_src>

<mosaic_0001>
#map = affine_map<(d0, d1) -> (0, 0, 0)>
#map1 = affine_map<(d0, d1) -> (0, 0)>
module attributes {stable_mosaic.version = 14 : i64} {
  func.func @_sc_hist(%arg0: i32, %arg1: i32, %arg2: memref<32x40x128xi32, #tpu.memory_space<hbm>>, %arg3: memref<632x128xf32, #tpu.memory_space<hbm>>, %arg4: memref<128x128xf32, #tpu.memory_space<hbm>>, %arg5: memref<2x10112x128xf32, #tpu.memory_space<hbm>>, %arg6: memref<40x128xi32, #tpu.memory_space<vmem>>, %arg7: memref<128x128xf32, #tpu.memory_space<vmem>>, %arg8: memref<!tpu.dma_semaphore, #tpu.memory_space<semaphore_mem>>, %arg9: memref<10112x128xf32, #tpu.memory_space<vmem_shared>>) attributes {dimension_semantics = [#tpu.dimension_semantics<core_parallel>, #tpu.dimension_semantics<subcore_parallel>], iteration_bounds = array<i64: 2, 16>, scalar_prefetch = 0 : i64, scratch_operands = 4 : i64, tpu.core_type = #tpu.core_type<sc_vector_subcore>, window_params = [{transform_indices = #map}, {transform_indices = #map1}, {transform_indices = #map1}, {transform_indices = #map}]} {
    %mul3A = arith.constant 16 : i32
    %mul3A_0 = arith.muli %arg0, %mul3A : i32
    %add3A = arith.addi %mul3A_0, %arg1 : i32
    %mul3A_1 = arith.constant 632 : i32
    %mul3A_2 = arith.muli %arg1, %mul3A_1 : i32
    "tpu.region"() ({
      %run_scoped3A = tpu.sem_alloc : memref<!tpu.dma_semaphore, #tpu.memory_space<semaphore_mem>>
      %dma_start3A = arith.constant 0 : i32
      %dma_start3A_19 = tpu.memref_slice %arg9[%mul3A_2, %dma_start3A] : memref<10112x128xf32, #tpu.memory_space<vmem_shared>> -> memref<632x128xf32, #tpu.memory_space<vmem_shared>>
      tpu.enqueue_dma source(%arg3 : memref<632x128xf32, #tpu.memory_space<hbm>>) target(%dma_start3A_19 : memref<632x128xf32, #tpu.memory_space<vmem_shared>>) target_semaphore(%run_scoped3A : memref<!tpu.dma_semaphore, #tpu.memory_space<semaphore_mem>>)
      %dma_wait3A = arith.constant 0 : i32
      %dma_wait3A_20 = tpu.memref_slice %arg9[%mul3A_2, %dma_wait3A] : memref<10112x128xf32, #tpu.memory_space<vmem_shared>> -> memref<632x128xf32, #tpu.memory_space<vmem_shared>>
      tpu.wait_dma2 semaphore(%run_scoped3A : memref<!tpu.dma_semaphore, #tpu.memory_space<semaphore_mem>>) src(%arg3 : memref<632x128xf32, #tpu.memory_space<hbm>>) dst(%dma_wait3A_20 : memref<632x128xf32, #tpu.memory_space<vmem_shared>>)
      tpu.yield
    }) : () -> ()
    "tpu.region"() ({
      %run_scoped3A = tpu.sem_alloc : memref<!tpu.dma_semaphore, #tpu.memory_space<semaphore_mem>>
      tpu.enqueue_dma source(%arg4 : memref<128x128xf32, #tpu.memory_space<hbm>>) target(%arg7 : memref<128x128xf32, #tpu.memory_space<vmem>>) target_semaphore(%run_scoped3A : memref<!tpu.dma_semaphore, #tpu.memory_space<semaphore_mem>>)
      tpu.wait_dma2 semaphore(%run_scoped3A : memref<!tpu.dma_semaphore, #tpu.memory_space<semaphore_mem>>) src(%arg4 : memref<128x128xf32, #tpu.memory_space<hbm>>) dst(%arg7 : memref<128x128xf32, #tpu.memory_space<vmem>>)
      tpu.yield
    }) : () -> ()
    "tpu.region"() ({
      %run_scoped3A = tpu.sem_alloc : memref<!tpu.dma_semaphore, #tpu.memory_space<semaphore_mem>>
      %dma_start3A = arith.constant 0 : i32
      %dma_start3A_19 = arith.constant 0 : i32
      %dma_start3A_20 = tpu.memref_slice %arg2[%add3A, %dma_start3A, %dma_start3A_19] : memref<32x40x128xi32, #tpu.memory_space<hbm>> -> memref<1x40x128xi32, #tpu.memory_space<hbm>>
      %dma_start3A_21 = tpu.memref_squeeze %dma_start3A_20 : memref<1x40x128xi32, #tpu.memory_space<hbm>> -> memref<40x128xi32, #tpu.memory_space<hbm>>
      %dma_start3A_22 = arith.constant 0 : i32
      %dma_start3A_23 = arith.constant 0 : i32
      %dma_start3A_24 = tpu.memref_slice %arg2[%add3A, %dma_start3A_22, %dma_start3A_23] : memref<32x40x128xi32, #tpu.memory_space<hbm>> -> memref<1x40x128xi32, #tpu.memory_space<hbm>>
      %dma_start3A_25 = tpu.memref_squeeze %dma_start3A_24 : memref<1x40x128xi32, #tpu.memory_space<hbm>> -> memref<40x128xi32, #tpu.memory_space<hbm>>
      tpu.enqueue_dma source(%dma_start3A_25 : memref<40x128xi32, #tpu.memory_space<hbm>>) target(%arg6 : memref<40x128xi32, #tpu.memory_space<vmem>>) target_semaphore(%run_scoped3A : memref<!tpu.dma_semaphore, #tpu.memory_space<semaphore_mem>>)
      %dma_wait3A = arith.constant 0 : i32
      %dma_wait3A_26 = arith.constant 0 : i32
      %dma_wait3A_27 = tpu.memref_slice %arg2[%add3A, %dma_wait3A, %dma_wait3A_26] : memref<32x40x128xi32, #tpu.memory_space<hbm>> -> memref<1x40x128xi32, #tpu.memory_space<hbm>>
      %dma_wait3A_28 = tpu.memref_squeeze %dma_wait3A_27 : memref<1x40x128xi32, #tpu.memory_space<hbm>> -> memref<40x128xi32, #tpu.memory_space<hbm>>
      %dma_wait3A_29 = arith.constant 0 : i32
      %dma_wait3A_30 = arith.constant 0 : i32
      %dma_wait3A_31 = tpu.memref_slice %arg2[%add3A, %dma_wait3A_29, %dma_wait3A_30] : memref<32x40x128xi32, #tpu.memory_space<hbm>> -> memref<1x40x128xi32, #tpu.memory_space<hbm>>
      %dma_wait3A_32 = tpu.memref_squeeze %dma_wait3A_31 : memref<1x40x128xi32, #tpu.memory_space<hbm>> -> memref<40x128xi32, #tpu.memory_space<hbm>>
      tpu.wait_dma2 semaphore(%run_scoped3A : memref<!tpu.dma_semaphore, #tpu.memory_space<semaphore_mem>>) src(%dma_wait3A_32 : memref<40x128xi32, #tpu.memory_space<hbm>>) dst(%arg6 : memref<40x128xi32, #tpu.memory_space<vmem>>)
      tpu.yield
    }) : () -> ()
    %barrier3A = arith.constant 0 : index
    tpu.barrier barrier_id(%barrier3A)
    %scan3A = arith.constant 0 : i32
    %scan3A_3 = arith.constant 0 : i32
    %scan3A_4 = arith.constant 40 : i32
    %scan3A_5 = arith.addi %scan3A_3, %scan3A_4 : i32
    %scan3A_6 = arith.constant 1 : i32
    scf.for %scan3A_19 = %scan3A_3 to %scan3A_5 step %scan3A_6  : i32 {
      %dma_start3A = arith.constant 0 : i32
      %dma_start3A_20 = tpu.memref_slice %arg6[%scan3A_19, %dma_start3A] : memref<40x128xi32, #tpu.memory_space<vmem>> -> memref<1x128xi32, #tpu.memory_space<vmem>>
      %dma_start3A_21 = tpu.memref_squeeze %dma_start3A_20 : memref<1x128xi32, #tpu.memory_space<vmem>> -> memref<128xi32, #tpu.memory_space<vmem>>
      %dma_start3A_22 = arith.constant 0 : i32
      %dma_start3A_23 = arith.constant 0 : i32
      %dma_start3A_24 = tpu.memref_slice %arg9[%dma_start3A_22, %dma_start3A_23] : memref<10112x128xf32, #tpu.memory_space<vmem_shared>> -> memref<10112x128xf32, #tpu.memory_space<vmem_shared>>
      tpu.enqueue_indirect_dma source(%arg7 : memref<128x128xf32, #tpu.memory_space<vmem>>) target(%dma_start3A_24 : memref<10112x128xf32, #tpu.memory_space<vmem_shared>>) offsets(%dma_start3A_21 : memref<128xi32, #tpu.memory_space<vmem>>) semaphore(%arg8 : memref<!tpu.dma_semaphore, #tpu.memory_space<semaphore_mem>>) {add = true}
    }
    %scan3A_7 = arith.constant 40 : i32
    %scan3A_8 = arith.constant 0 : i32
    %scan3A_9 = arith.constant 0 : i32
    %scan3A_10 = arith.constant 40 : i32
    %scan3A_11 = arith.addi %scan3A_9, %scan3A_10 : i32
    %scan3A_12 = arith.constant 1 : i32
    scf.for %scan3A_19 = %scan3A_9 to %scan3A_11 step %scan3A_12  : i32 {
      %dma_wait3A = arith.constant 0 : i32
      %dma_wait3A_20 = tpu.memref_slice %arg6[%scan3A_19, %dma_wait3A] : memref<40x128xi32, #tpu.memory_space<vmem>> -> memref<1x128xi32, #tpu.memory_space<vmem>>
      %dma_wait3A_21 = tpu.memref_squeeze %dma_wait3A_20 : memref<1x128xi32, #tpu.memory_space<vmem>> -> memref<128xi32, #tpu.memory_space<vmem>>
      %dma_wait3A_22 = arith.constant 0 : i32
      %dma_wait3A_23 = arith.constant 0 : i32
      %dma_wait3A_24 = tpu.memref_slice %arg9[%dma_wait3A_22, %dma_wait3A_23] : memref<10112x128xf32, #tpu.memory_space<vmem_shared>> -> memref<10112x128xf32, #tpu.memory_space<vmem_shared>>
      tpu.wait_indirect_dma semaphore(%arg8 : memref<!tpu.dma_semaphore, #tpu.memory_space<semaphore_mem>>) src(%arg7 : memref<128x128xf32, #tpu.memory_space<vmem>>) dst(%dma_wait3A_24 : memref<10112x128xf32, #tpu.memory_space<vmem_shared>>)
    }
    %scan3A_13 = arith.constant 40 : i32
    %barrier3A_14 = arith.constant 0 : index
    tpu.barrier barrier_id(%barrier3A_14)
    %mul3A_15 = arith.constant 632 : i32
    %mul3A_16 = arith.muli %arg1, %mul3A_15 : i32
    %mul3A_17 = arith.constant 632 : i32
    %mul3A_18 = arith.muli %arg1, %mul3A_17 : i32
    "tpu.region"() ({
      %run_scoped3A = tpu.sem_alloc : memref<!tpu.dma_semaphore, #tpu.memory_space<semaphore_mem>>
      %dma_start3A = arith.constant 0 : i32
      %dma_start3A_19 = tpu.memref_slice %arg5[%arg0, %mul3A_18, %dma_start3A] : memref<2x10112x128xf32, #tpu.memory_space<hbm>> -> memref<1x632x128xf32, #tpu.memory_space<hbm>>
      %dma_start3A_20 = tpu.memref_squeeze %dma_start3A_19 : memref<1x632x128xf32, #tpu.memory_space<hbm>> -> memref<632x128xf32, #tpu.memory_space<hbm>>
      %dma_start3A_21 = arith.constant 0 : i32
      %dma_start3A_22 = tpu.memref_slice %arg9[%mul3A_16, %dma_start3A_21] : memref<10112x128xf32, #tpu.memory_space<vmem_shared>> -> memref<632x128xf32, #tpu.memory_space<vmem_shared>>
      tpu.enqueue_dma source(%dma_start3A_22 : memref<632x128xf32, #tpu.memory_space<vmem_shared>>) target(%dma_start3A_20 : memref<632x128xf32, #tpu.memory_space<hbm>>) target_semaphore(%run_scoped3A : memref<!tpu.dma_semaphore, #tpu.memory_space<semaphore_mem>>)
      %dma_wait3A = arith.constant 0 : i32
      %dma_wait3A_23 = tpu.memref_slice %arg5[%arg0, %mul3A_18, %dma_wait3A] : memref<2x10112x128xf32, #tpu.memory_space<hbm>> -> memref<1x632x128xf32, #tpu.memory_space<hbm>>
      %dma_wait3A_24 = tpu.memref_squeeze %dma_wait3A_23 : memref<1x632x128xf32, #tpu.memory_space<hbm>> -> memref<632x128xf32, #tpu.memory_space<hbm>>
      %dma_wait3A_25 = arith.constant 0 : i32
      %dma_wait3A_26 = tpu.memref_slice %arg9[%mul3A_16, %dma_wait3A_25] : memref<10112x128xf32, #tpu.memory_space<vmem_shared>> -> memref<632x128xf32, #tpu.memory_space<vmem_shared>>
      tpu.wait_dma2 semaphore(%run_scoped3A : memref<!tpu.dma_semaphore, #tpu.memory_space<semaphore_mem>>) src(%dma_wait3A_26 : memref<632x128xf32, #tpu.memory_space<vmem_shared>>) dst(%dma_wait3A_24 : memref<632x128xf32, #tpu.memory_space<hbm>>)
      tpu.yield
    }) : () -> ()
    return
  }
}

#map = affine_map<(d0, d1) -> (0, 0)>
#map1 = affine_map<(d0, d1) -> (0, 0, 0, 0)>
#map2 = affine_map<(d0, d1) -> (0, 0, 0)>
module attributes {stable_mosaic.version = 14 : i64} {
  func.func @_sc_agg(%arg0: i32, %arg1: i32, %arg2: memref<20000x128xf32, #tpu.memory_space<hbm>>, %arg3: memref<2x16x80x128xi32, #tpu.memory_space<hbm>>, %arg4: memref<16x80x128xi32, #tpu.memory_space<hbm>>, %arg5: memref<632x128xf32, #tpu.memory_space<hbm>>, %arg6: memref<2x10112x128xf32, #tpu.memory_space<hbm>>, %arg7: memref<40x128xi32, #tpu.memory_space<vmem>>, %arg8: memref<40x128xi32, #tpu.memory_space<vmem>>, %arg9: memref<128x128xf32, #tpu.memory_space<vmem>>, %arg10: memref<128x128xf32, #tpu.memory_space<vmem>>, %arg11: memref<!tpu.dma_semaphore, #tpu.memory_space<semaphore_mem>>, %arg12: memref<10112x128xf32, #tpu.memory_space<vmem_shared>>) attributes {dimension_semantics = [#tpu.dimension_semantics<core_parallel>, #tpu.dimension_semantics<subcore_parallel>], iteration_bounds = array<i64: 2, 16>, scalar_prefetch = 0 : i64, scratch_operands = 6 : i64, tpu.core_type = #tpu.core_type<sc_vector_subcore>, window_params = [{transform_indices = #map}, {transform_indices = #map1}, {transform_indices = #map2}, {transform_indices = #map}, {transform_indices = #map2}]} {
    %mul3A = arith.constant 632 : i32
    %mul3A_0 = arith.muli %arg1, %mul3A : i32
    "tpu.region"() ({
      %run_scoped3A = tpu.sem_alloc : memref<!tpu.dma_semaphore, #tpu.memory_space<semaphore_mem>>
      %dma_start3A = arith.constant 0 : i32
      %dma_start3A_11 = tpu.memref_slice %arg12[%mul3A_0, %dma_start3A] : memref<10112x128xf32, #tpu.memory_space<vmem_shared>> -> memref<632x128xf32, #tpu.memory_space<vmem_shared>>
      tpu.enqueue_dma source(%arg5 : memref<632x128xf32, #tpu.memory_space<hbm>>) target(%dma_start3A_11 : memref<632x128xf32, #tpu.memory_space<vmem_shared>>) target_semaphore(%run_scoped3A : memref<!tpu.dma_semaphore, #tpu.memory_space<semaphore_mem>>)
      %dma_wait3A = arith.constant 0 : i32
      %dma_wait3A_12 = tpu.memref_slice %arg12[%mul3A_0, %dma_wait3A] : memref<10112x128xf32, #tpu.memory_space<vmem_shared>> -> memref<632x128xf32, #tpu.memory_space<vmem_shared>>
      tpu.wait_dma2 semaphore(%run_scoped3A : memref<!tpu.dma_semaphore, #tpu.memory_space<semaphore_mem>>) src(%arg5 : memref<632x128xf32, #tpu.memory_space<hbm>>) dst(%dma_wait3A_12 : memref<632x128xf32, #tpu.memory_space<vmem_shared>>)
      tpu.yield
    }) : () -> ()
    %barrier3A = arith.constant 0 : index
    tpu.barrier barrier_id(%barrier3A)
    %scan3A = arith.constant 0 : i32
    %scan3A_1 = arith.constant 0 : i32
    %scan3A_2 = arith.constant 2 : i32
    %scan3A_3 = arith.addi %scan3A_1, %scan3A_2 : i32
    %scan3A_4 = arith.constant 1 : i32
    scf.for %scan3A_11 = %scan3A_1 to %scan3A_3 step %scan3A_4  : i32 {
      %mul3A_12 = arith.constant 40 : i32
      %mul3A_13 = arith.muli %scan3A_11, %mul3A_12 : i32
      "tpu.region"() ({
        %run_scoped3A = tpu.sem_alloc : memref<!tpu.dma_semaphore, #tpu.memory_space<semaphore_mem>>
        %dma_start3A_60 = arith.constant 0 : i32
        %dma_start3A_61 = tpu.memref_slice %arg3[%arg0, %arg1, %mul3A_13, %dma_start3A_60] : memref<2x16x80x128xi32, #tpu.memory_space<hbm>> -> memref<1x1x40x128xi32, #tpu.memory_space<hbm>>
        %dma_start3A_62 = tpu.memref_squeeze %dma_start3A_61 : memref<1x1x40x128xi32, #tpu.memory_space<hbm>> -> memref<40x128xi32, #tpu.memory_space<hbm>>
        %dma_start3A_63 = arith.constant 0 : i32
        %dma_start3A_64 = tpu.memref_slice %arg3[%arg0, %arg1, %mul3A_13, %dma_start3A_63] : memref<2x16x80x128xi32, #tpu.memory_space<hbm>> -> memref<1x1x40x128xi32, #tpu.memory_space<hbm>>
        %dma_start3A_65 = tpu.memref_squeeze %dma_start3A_64 : memref<1x1x40x128xi32, #tpu.memory_space<hbm>> -> memref<40x128xi32, #tpu.memory_space<hbm>>
        tpu.enqueue_dma source(%dma_start3A_65 : memref<40x128xi32, #tpu.memory_space<hbm>>) target(%arg7 : memref<40x128xi32, #tpu.memory_space<vmem>>) target_semaphore(%run_scoped3A : memref<!tpu.dma_semaphore, #tpu.memory_space<semaphore_mem>>)
        %dma_wait3A = arith.constant 0 : i32
        %dma_wait3A_66 = tpu.memref_slice %arg3[%arg0, %arg1, %mul3A_13, %dma_wait3A] : memref<2x16x80x128xi32, #tpu.memory_space<hbm>> -> memref<1x1x40x128xi32, #tpu.memory_space<hbm>>
        %dma_wait3A_67 = tpu.memref_squeeze %dma_wait3A_66 : memref<1x1x40x128xi32, #tpu.memory_space<hbm>> -> memref<40x128xi32, #tpu.memory_space<hbm>>
        %dma_wait3A_68 = arith.constant 0 : i32
        %dma_wait3A_69 = tpu.memref_slice %arg3[%arg0, %arg1, %mul3A_13, %dma_wait3A_68] : memref<2x16x80x128xi32, #tpu.memory_space<hbm>> -> memref<1x1x40x128xi32, #tpu.memory_space<hbm>>
        %dma_wait3A_70 = tpu.memref_squeeze %dma_wait3A_69 : memref<1x1x40x128xi32, #tpu.memory_space<hbm>> -> memref<40x128xi32, #tpu.memory_space<hbm>>
        tpu.wait_dma2 semaphore(%run_scoped3A : memref<!tpu.dma_semaphore, #tpu.memory_space<semaphore_mem>>) src(%dma_wait3A_70 : memref<40x128xi32, #tpu.memory_space<hbm>>) dst(%arg7 : memref<40x128xi32, #tpu.memory_space<vmem>>)
        tpu.yield
      }) : () -> ()
      %mul3A_14 = arith.constant 40 : i32
      %mul3A_15 = arith.muli %scan3A_11, %mul3A_14 : i32
      "tpu.region"() ({
        %run_scoped3A = tpu.sem_alloc : memref<!tpu.dma_semaphore, #tpu.memory_space<semaphore_mem>>
        %dma_start3A_60 = arith.constant 0 : i32
        %dma_start3A_61 = tpu.memref_slice %arg4[%arg1, %mul3A_15, %dma_start3A_60] : memref<16x80x128xi32, #tpu.memory_space<hbm>> -> memref<1x40x128xi32, #tpu.memory_space<hbm>>
        %dma_start3A_62 = tpu.memref_squeeze %dma_start3A_61 : memref<1x40x128xi32, #tpu.memory_space<hbm>> -> memref<40x128xi32, #tpu.memory_space<hbm>>
        %dma_start3A_63 = arith.constant 0 : i32
        %dma_start3A_64 = tpu.memref_slice %arg4[%arg1, %mul3A_15, %dma_start3A_63] : memref<16x80x128xi32, #tpu.memory_space<hbm>> -> memref<1x40x128xi32, #tpu.memory_space<hbm>>
        %dma_start3A_65 = tpu.memref_squeeze %dma_start3A_64 : memref<1x40x128xi32, #tpu.memory_space<hbm>> -> memref<40x128xi32, #tpu.memory_space<hbm>>
        tpu.enqueue_dma source(%dma_start3A_65 : memref<40x128xi32, #tpu.memory_space<hbm>>) target(%arg8 : memref<40x128xi32, #tpu.memory_space<vmem>>) target_semaphore(%run_scoped3A : memref<!tpu.dma_semaphore, #tpu.memory_space<semaphore_mem>>)
        %dma_wait3A = arith.constant 0 : i32
        %dma_wait3A_66 = tpu.memref_slice %arg4[%arg1, %mul3A_15, %dma_wait3A] : memref<16x80x128xi32, #tpu.memory_space<hbm>> -> memref<1x40x128xi32, #tpu.memory_space<hbm>>
        %dma_wait3A_67 = tpu.memref_squeeze %dma_wait3A_66 : memref<1x40x128xi32, #tpu.memory_space<hbm>> -> memref<40x128xi32, #tpu.memory_space<hbm>>
        %dma_wait3A_68 = arith.constant 0 : i32
        %dma_wait3A_69 = tpu.memref_slice %arg4[%arg1, %mul3A_15, %dma_wait3A_68] : memref<16x80x128xi32, #tpu.memory_space<hbm>> -> memref<1x40x128xi32, #tpu.memory_space<hbm>>
        %dma_wait3A_70 = tpu.memref_squeeze %dma_wait3A_69 : memref<1x40x128xi32, #tpu.memory_space<hbm>> -> memref<40x128xi32, #tpu.memory_space<hbm>>
        tpu.wait_dma2 semaphore(%run_scoped3A : memref<!tpu.dma_semaphore, #tpu.memory_space<semaphore_mem>>) src(%dma_wait3A_70 : memref<40x128xi32, #tpu.memory_space<hbm>>) dst(%arg8 : memref<40x128xi32, #tpu.memory_space<vmem>>)
        tpu.yield
      }) : () -> ()
      %dma_start3A = arith.constant 0 : i32
      %dma_start3A_16 = arith.constant 0 : i32
      %dma_start3A_17 = arith.constant 0 : i32
      %dma_start3A_18 = tpu.memref_slice %arg9[%dma_start3A_16, %dma_start3A_17] : memref<128x128xf32, #tpu.memory_space<vmem>> -> memref<32x128xf32, #tpu.memory_space<vmem>>
      %dma_start3A_19 = arith.constant 0 : i32
      %dma_start3A_20 = tpu.memref_slice %arg7[%dma_start3A, %dma_start3A_19] : memref<40x128xi32, #tpu.memory_space<vmem>> -> memref<1x32xi32, #tpu.memory_space<vmem>>
      %dma_start3A_21 = tpu.memref_squeeze %dma_start3A_20 : memref<1x32xi32, #tpu.memory_space<vmem>> -> memref<32xi32, #tpu.memory_space<vmem>>
      %dma_start3A_22 = arith.constant 0 : i32
      %dma_start3A_23 = arith.constant 0 : i32
      %dma_start3A_24 = tpu.memref_slice %arg2[%dma_start3A_22, %dma_start3A_23] : memref<20000x128xf32, #tpu.memory_space<hbm>> -> memref<20000x128xf32, #tpu.memory_space<hbm>>
      tpu.enqueue_indirect_dma source(%dma_start3A_24 : memref<20000x128xf32, #tpu.memory_space<hbm>>) target(%dma_start3A_18 : memref<32x128xf32, #tpu.memory_space<vmem>>) offsets(%dma_start3A_21 : memref<32xi32, #tpu.memory_space<vmem>>) semaphore(%arg11 : memref<!tpu.dma_semaphore, #tpu.memory_space<semaphore_mem>>)
      %dma_start3A_25 = arith.constant 0 : i32
      %dma_start3A_26 = arith.constant 32 : i32
      %dma_start3A_27 = arith.constant 0 : i32
      %dma_start3A_28 = tpu.memref_slice %arg9[%dma_start3A_26, %dma_start3A_27] : memref<128x128xf32, #tpu.memory_space<vmem>> -> memref<32x128xf32, #tpu.memory_space<vmem>>
      %dma_start3A_29 = arith.constant 32 : i32
      %dma_start3A_30 = tpu.memref_slice %arg7[%dma_start3A_25, %dma_start3A_29] : memref<40x128xi32, #tpu.memory_space<vmem>> -> memref<1x32xi32, #tpu.memory_space<vmem>>
      %dma_start3A_31 = tpu.memref_squeeze %dma_start3A_30 : memref<1x32xi32, #tpu.memory_space<vmem>> -> memref<32xi32, #tpu.memory_space<vmem>>
      %dma_start3A_32 = arith.constant 0 : i32
      %dma_start3A_33 = arith.constant 0 : i32
      %dma_start3A_34 = tpu.memref_slice %arg2[%dma_start3A_32, %dma_start3A_33] : memref<20000x128xf32, #tpu.memory_space<hbm>> -> memref<20000x128xf32, #tpu.memory_space<hbm>>
      tpu.enqueue_indirect_dma source(%dma_start3A_34 : memref<20000x128xf32, #tpu.memory_space<hbm>>) target(%dma_start3A_28 : memref<32x128xf32, #tpu.memory_space<vmem>>) offsets(%dma_start3A_31 : memref<32xi32, #tpu.memory_space<vmem>>) semaphore(%arg11 : memref<!tpu.dma_semaphore, #tpu.memory_space<semaphore_mem>>)
      %dma_start3A_35 = arith.constant 0 : i32
      %dma_start3A_36 = arith.constant 64 : i32
      %dma_start3A_37 = arith.constant 0 : i32
      %dma_start3A_38 = tpu.memref_slice %arg9[%dma_start3A_36, %dma_start3A_37] : memref<128x128xf32, #tpu.memory_space<vmem>> -> memref<32x128xf32, #tpu.memory_space<vmem>>
      %dma_start3A_39 = arith.constant 64 : i32
      %dma_start3A_40 = tpu.memref_slice %arg7[%dma_start3A_35, %dma_start3A_39] : memref<40x128xi32, #tpu.memory_space<vmem>> -> memref<1x32xi32, #tpu.memory_space<vmem>>
      %dma_start3A_41 = tpu.memref_squeeze %dma_start3A_40 : memref<1x32xi32, #tpu.memory_space<vmem>> -> memref<32xi32, #tpu.memory_space<vmem>>
      %dma_start3A_42 = arith.constant 0 : i32
      %dma_start3A_43 = arith.constant 0 : i32
      %dma_start3A_44 = tpu.memref_slice %arg2[%dma_start3A_42, %dma_start3A_43] : memref<20000x128xf32, #tpu.memory_space<hbm>> -> memref<20000x128xf32, #tpu.memory_space<hbm>>
      tpu.enqueue_indirect_dma source(%dma_start3A_44 : memref<20000x128xf32, #tpu.memory_space<hbm>>) target(%dma_start3A_38 : memref<32x128xf32, #tpu.memory_space<vmem>>) offsets(%dma_start3A_41 : memref<32xi32, #tpu.memory_space<vmem>>) semaphore(%arg11 : memref<!tpu.dma_semaphore, #tpu.memory_space<semaphore_mem>>)
      %dma_start3A_45 = arith.constant 0 : i32
      %dma_start3A_46 = arith.constant 96 : i32
      %dma_start3A_47 = arith.constant 0 : i32
      %dma_start3A_48 = tpu.memref_slice %arg9[%dma_start3A_46, %dma_start3A_47] : memref<128x128xf32, #tpu.memory_space<vmem>> -> memref<32x128xf32, #tpu.memory_space<vmem>>
      %dma_start3A_49 = arith.constant 96 : i32
      %dma_start3A_50 = tpu.memref_slice %arg7[%dma_start3A_45, %dma_start3A_49] : memref<40x128xi32, #tpu.memory_space<vmem>> -> memref<1x32xi32, #tpu.memory_space<vmem>>
      %dma_start3A_51 = tpu.memref_squeeze %dma_start3A_50 : memref<1x32xi32, #tpu.memory_space<vmem>> -> memref<32xi32, #tpu.memory_space<vmem>>
      %dma_start3A_52 = arith.constant 0 : i32
      %dma_start3A_53 = arith.constant 0 : i32
      %dma_start3A_54 = tpu.memref_slice %arg2[%dma_start3A_52, %dma_start3A_53] : memref<20000x128xf32, #tpu.memory_space<hbm>> -> memref<20000x128xf32, #tpu.memory_space<hbm>>
      tpu.enqueue_indirect_dma source(%dma_start3A_54 : memref<20000x128xf32, #tpu.memory_space<hbm>>) target(%dma_start3A_48 : memref<32x128xf32, #tpu.memory_space<vmem>>) offsets(%dma_start3A_51 : memref<32xi32, #tpu.memory_space<vmem>>) semaphore(%arg11 : memref<!tpu.dma_semaphore, #tpu.memory_space<semaphore_mem>>)
      %scan3A_55 = arith.constant 0 : i32
      %scan3A_56 = arith.constant 20 : i32
      %scan3A_57 = arith.addi %scan3A_55, %scan3A_56 : i32
      %scan3A_58 = arith.constant 1 : i32
      scf.for %scan3A_60 = %scan3A_55 to %scan3A_57 step %scan3A_58  : i32 {
        %mul3A_61 = arith.constant 2 : i32
        %mul3A_62 = arith.muli %mul3A_61, %scan3A_60 : i32
        %dma_wait3A = arith.constant 0 : i32
        %dma_wait3A_63 = tpu.memref_slice %arg7[%mul3A_62, %dma_wait3A] : memref<40x128xi32, #tpu.memory_space<vmem>> -> memref<1x128xi32, #tpu.memory_space<vmem>>
        %dma_wait3A_64 = tpu.memref_squeeze %dma_wait3A_63 : memref<1x128xi32, #tpu.memory_space<vmem>> -> memref<128xi32, #tpu.memory_space<vmem>>
        %dma_wait3A_65 = arith.constant 0 : i32
        %dma_wait3A_66 = arith.constant 0 : i32
        %dma_wait3A_67 = tpu.memref_slice %arg2[%dma_wait3A_65, %dma_wait3A_66] : memref<20000x128xf32, #tpu.memory_space<hbm>> -> memref<20000x128xf32, #tpu.memory_space<hbm>>
        tpu.wait_indirect_dma semaphore(%arg11 : memref<!tpu.dma_semaphore, #tpu.memory_space<semaphore_mem>>) src(%dma_wait3A_67 : memref<20000x128xf32, #tpu.memory_space<hbm>>) dst(%arg9 : memref<128x128xf32, #tpu.memory_space<vmem>>)
        %add3A = arith.constant 1 : i32
        %add3A_68 = arith.addi %mul3A_62, %add3A : i32
        %dma_start3A_69 = arith.constant 0 : i32
        %dma_start3A_70 = arith.constant 0 : i32
        %dma_start3A_71 = tpu.memref_slice %arg10[%dma_start3A_69, %dma_start3A_70] : memref<128x128xf32, #tpu.memory_space<vmem>> -> memref<32x128xf32, #tpu.memory_space<vmem>>
        %dma_start3A_72 = arith.constant 0 : i32
        %dma_start3A_73 = tpu.memref_slice %arg7[%add3A_68, %dma_start3A_72] : memref<40x128xi32, #tpu.memory_space<vmem>> -> memref<1x32xi32, #tpu.memory_space<vmem>>
        %dma_start3A_74 = tpu.memref_squeeze %dma_start3A_73 : memref<1x32xi32, #tpu.memory_space<vmem>> -> memref<32xi32, #tpu.memory_space<vmem>>
        %dma_start3A_75 = arith.constant 0 : i32
        %dma_start3A_76 = arith.constant 0 : i32
        %dma_start3A_77 = tpu.memref_slice %arg2[%dma_start3A_75, %dma_start3A_76] : memref<20000x128xf32, #tpu.memory_space<hbm>> -> memref<20000x128xf32, #tpu.memory_space<hbm>>
        tpu.enqueue_indirect_dma source(%dma_start3A_77 : memref<20000x128xf32, #tpu.memory_space<hbm>>) target(%dma_start3A_71 : memref<32x128xf32, #tpu.memory_space<vmem>>) offsets(%dma_start3A_74 : memref<32xi32, #tpu.memory_space<vmem>>) semaphore(%arg11 : memref<!tpu.dma_semaphore, #tpu.memory_space<semaphore_mem>>)
        %dma_start3A_78 = arith.constant 32 : i32
        %dma_start3A_79 = arith.constant 0 : i32
        %dma_start3A_80 = tpu.memref_slice %arg10[%dma_start3A_78, %dma_start3A_79] : memref<128x128xf32, #tpu.memory_space<vmem>> -> memref<32x128xf32, #tpu.memory_space<vmem>>
        %dma_start3A_81 = arith.constant 32 : i32
        %dma_start3A_82 = tpu.memref_slice %arg7[%add3A_68, %dma_start3A_81] : memref<40x128xi32, #tpu.memory_space<vmem>> -> memref<1x32xi32, #tpu.memory_space<vmem>>
        %dma_start3A_83 = tpu.memref_squeeze %dma_start3A_82 : memref<1x32xi32, #tpu.memory_space<vmem>> -> memref<32xi32, #tpu.memory_space<vmem>>
        %dma_start3A_84 = arith.constant 0 : i32
        %dma_start3A_85 = arith.constant 0 : i32
        %dma_start3A_86 = tpu.memref_slice %arg2[%dma_start3A_84, %dma_start3A_85] : memref<20000x128xf32, #tpu.memory_space<hbm>> -> memref<20000x128xf32, #tpu.memory_space<hbm>>
        tpu.enqueue_indirect_dma source(%dma_start3A_86 : memref<20000x128xf32, #tpu.memory_space<hbm>>) target(%dma_start3A_80 : memref<32x128xf32, #tpu.memory_space<vmem>>) offsets(%dma_start3A_83 : memref<32xi32, #tpu.memory_space<vmem>>) semaphore(%arg11 : memref<!tpu.dma_semaphore, #tpu.memory_space<semaphore_mem>>)
        %dma_start3A_87 = arith.constant 64 : i32
        %dma_start3A_88 = arith.constant 0 : i32
        %dma_start3A_89 = tpu.memref_slice %arg10[%dma_start3A_87, %dma_start3A_88] : memref<128x128xf32, #tpu.memory_space<vmem>> -> memref<32x128xf32, #tpu.memory_space<vmem>>
        %dma_start3A_90 = arith.constant 64 : i32
        %dma_start3A_91 = tpu.memref_slice %arg7[%add3A_68, %dma_start3A_90] : memref<40x128xi32, #tpu.memory_space<vmem>> -> memref<1x32xi32, #tpu.memory_space<vmem>>
        %dma_start3A_92 = tpu.memref_squeeze %dma_start3A_91 : memref<1x32xi32, #tpu.memory_space<vmem>> -> memref<32xi32, #tpu.memory_space<vmem>>
        %dma_start3A_93 = arith.constant 0 : i32
        %dma_start3A_94 = arith.constant 0 : i32
        %dma_start3A_95 = tpu.memref_slice %arg2[%dma_start3A_93, %dma_start3A_94] : memref<20000x128xf32, #tpu.memory_space<hbm>> -> memref<20000x128xf32, #tpu.memory_space<hbm>>
        tpu.enqueue_indirect_dma source(%dma_start3A_95 : memref<20000x128xf32, #tpu.memory_space<hbm>>) target(%dma_start3A_89 : memref<32x128xf32, #tpu.memory_space<vmem>>) offsets(%dma_start3A_92 : memref<32xi32, #tpu.memory_space<vmem>>) semaphore(%arg11 : memref<!tpu.dma_semaphore, #tpu.memory_space<semaphore_mem>>)
        %dma_start3A_96 = arith.constant 96 : i32
        %dma_start3A_97 = arith.constant 0 : i32
        %dma_start3A_98 = tpu.memref_slice %arg10[%dma_start3A_96, %dma_start3A_97] : memref<128x128xf32, #tpu.memory_space<vmem>> -> memref<32x128xf32, #tpu.memory_space<vmem>>
        %dma_start3A_99 = arith.constant 96 : i32
        %dma_start3A_100 = tpu.memref_slice %arg7[%add3A_68, %dma_start3A_99] : memref<40x128xi32, #tpu.memory_space<vmem>> -> memref<1x32xi32, #tpu.memory_space<vmem>>
        %dma_start3A_101 = tpu.memref_squeeze %dma_start3A_100 : memref<1x32xi32, #tpu.memory_space<vmem>> -> memref<32xi32, #tpu.memory_space<vmem>>
        %dma_start3A_102 = arith.constant 0 : i32
        %dma_start3A_103 = arith.constant 0 : i32
        %dma_start3A_104 = tpu.memref_slice %arg2[%dma_start3A_102, %dma_start3A_103] : memref<20000x128xf32, #tpu.memory_space<hbm>> -> memref<20000x128xf32, #tpu.memory_space<hbm>>
        tpu.enqueue_indirect_dma source(%dma_start3A_104 : memref<20000x128xf32, #tpu.memory_space<hbm>>) target(%dma_start3A_98 : memref<32x128xf32, #tpu.memory_space<vmem>>) offsets(%dma_start3A_101 : memref<32xi32, #tpu.memory_space<vmem>>) semaphore(%arg11 : memref<!tpu.dma_semaphore, #tpu.memory_space<semaphore_mem>>)
        "tpu.region"() ({
          %run_scoped3A = tpu.sem_alloc : memref<!tpu.dma_semaphore, #tpu.memory_space<semaphore_mem>>
          %dma_start3A_119 = arith.constant 0 : i32
          %dma_start3A_120 = tpu.memref_slice %arg8[%mul3A_62, %dma_start3A_119] : memref<40x128xi32, #tpu.memory_space<vmem>> -> memref<1x128xi32, #tpu.memory_space<vmem>>
          %dma_start3A_121 = tpu.memref_squeeze %dma_start3A_120 : memref<1x128xi32, #tpu.memory_space<vmem>> -> memref<128xi32, #tpu.memory_space<vmem>>
          %dma_start3A_122 = arith.constant 0 : i32
          %dma_start3A_123 = arith.constant 0 : i32
          %dma_start3A_124 = tpu.memref_slice %arg12[%dma_start3A_122, %dma_start3A_123] : memref<10112x128xf32, #tpu.memory_space<vmem_shared>> -> memref<10112x128xf32, #tpu.memory_space<vmem_shared>>
          tpu.enqueue_indirect_dma source(%arg9 : memref<128x128xf32, #tpu.memory_space<vmem>>) target(%dma_start3A_124 : memref<10112x128xf32, #tpu.memory_space<vmem_shared>>) offsets(%dma_start3A_121 : memref<128xi32, #tpu.memory_space<vmem>>) semaphore(%run_scoped3A : memref<!tpu.dma_semaphore, #tpu.memory_space<semaphore_mem>>) {add = true}
          %dma_wait3A_125 = arith.constant 0 : i32
          %dma_wait3A_126 = tpu.memref_slice %arg8[%mul3A_62, %dma_wait3A_125] : memref<40x128xi32, #tpu.memory_space<vmem>> -> memref<1x128xi32, #tpu.memory_space<vmem>>
          %dma_wait3A_127 = tpu.memref_squeeze %dma_wait3A_126 : memref<1x128xi32, #tpu.memory_space<vmem>> -> memref<128xi32, #tpu.memory_space<vmem>>
          %dma_wait3A_128 = arith.constant 0 : i32
          %dma_wait3A_129 = arith.constant 0 : i32
          %dma_wait3A_130 = tpu.memref_slice %arg12[%dma_wait3A_128, %dma_wait3A_129] : memref<10112x128xf32, #tpu.memory_space<vmem_shared>> -> memref<10112x128xf32, #tpu.memory_space<vmem_shared>>
          tpu.wait_indirect_dma semaphore(%run_scoped3A : memref<!tpu.dma_semaphore, #tpu.memory_space<semaphore_mem>>) src(%arg9 : memref<128x128xf32, #tpu.memory_space<vmem>>) dst(%dma_wait3A_130 : memref<10112x128xf32, #tpu.memory_space<vmem_shared>>)
          tpu.yield
        }) : () -> ()
        %add3A_105 = arith.constant 1 : i32
        %add3A_106 = arith.addi %mul3A_62, %add3A_105 : i32
        %dma_wait3A_107 = arith.constant 0 : i32
        %dma_wait3A_108 = tpu.memref_slice %arg7[%add3A_106, %dma_wait3A_107] : memref<40x128xi32, #tpu.memory_space<vmem>> -> memref<1x128xi32, #tpu.memory_space<vmem>>
        %dma_wait3A_109 = tpu.memref_squeeze %dma_wait3A_108 : memref<1x128xi32, #tpu.memory_space<vmem>> -> memref<128xi32, #tpu.memory_space<vmem>>
        %dma_wait3A_110 = arith.constant 0 : i32
        %dma_wait3A_111 = arith.constant 0 : i32
        %dma_wait3A_112 = tpu.memref_slice %arg2[%dma_wait3A_110, %dma_wait3A_111] : memref<20000x128xf32, #tpu.memory_space<hbm>> -> memref<20000x128xf32, #tpu.memory_space<hbm>>
        tpu.wait_indirect_dma semaphore(%arg11 : memref<!tpu.dma_semaphore, #tpu.memory_space<semaphore_mem>>) src(%dma_wait3A_112 : memref<20000x128xf32, #tpu.memory_space<hbm>>) dst(%arg10 : memref<128x128xf32, #tpu.memory_space<vmem>>)
        %add3A_113 = arith.constant 1 : i32
        %add3A_114 = arith.addi %scan3A_60, %add3A_113 : i32
        %lt3A = arith.constant 20 : i32
        %lt3A_115 = arith.cmpi slt, %add3A_114, %lt3A : i32
        %convert_element_type3A = arith.extui %lt3A_115 : i1 to i32
        %cond3A = arith.constant 0 : i32
        %cond3A_116 = arith.cmpi ne, %convert_element_type3A, %cond3A : i32
        scf.if %cond3A_116 {
          %add3A_119 = arith.constant 2 : i32
          %add3A_120 = arith.addi %mul3A_62, %add3A_119 : i32
          %dma_start3A_121 = arith.constant 0 : i32
          %dma_start3A_122 = arith.constant 0 : i32
          %dma_start3A_123 = tpu.memref_slice %arg9[%dma_start3A_121, %dma_start3A_122] : memref<128x128xf32, #tpu.memory_space<vmem>> -> memref<32x128xf32, #tpu.memory_space<vmem>>
          %dma_start3A_124 = arith.constant 0 : i32
          %dma_start3A_125 = tpu.memref_slice %arg7[%add3A_120, %dma_start3A_124] : memref<40x128xi32, #tpu.memory_space<vmem>> -> memref<1x32xi32, #tpu.memory_space<vmem>>
          %dma_start3A_126 = tpu.memref_squeeze %dma_start3A_125 : memref<1x32xi32, #tpu.memory_space<vmem>> -> memref<32xi32, #tpu.memory_space<vmem>>
          %dma_start3A_127 = arith.constant 0 : i32
          %dma_start3A_128 = arith.constant 0 : i32
          %dma_start3A_129 = tpu.memref_slice %arg2[%dma_start3A_127, %dma_start3A_128] : memref<20000x128xf32, #tpu.memory_space<hbm>> -> memref<20000x128xf32, #tpu.memory_space<hbm>>
          tpu.enqueue_indirect_dma source(%dma_start3A_129 : memref<20000x128xf32, #tpu.memory_space<hbm>>) target(%dma_start3A_123 : memref<32x128xf32, #tpu.memory_space<vmem>>) offsets(%dma_start3A_126 : memref<32xi32, #tpu.memory_space<vmem>>) semaphore(%arg11 : memref<!tpu.dma_semaphore, #tpu.memory_space<semaphore_mem>>)
          %dma_start3A_130 = arith.constant 32 : i32
          %dma_start3A_131 = arith.constant 0 : i32
          %dma_start3A_132 = tpu.memref_slice %arg9[%dma_start3A_130, %dma_start3A_131] : memref<128x128xf32, #tpu.memory_space<vmem>> -> memref<32x128xf32, #tpu.memory_space<vmem>>
          %dma_start3A_133 = arith.constant 32 : i32
          %dma_start3A_134 = tpu.memref_slice %arg7[%add3A_120, %dma_start3A_133] : memref<40x128xi32, #tpu.memory_space<vmem>> -> memref<1x32xi32, #tpu.memory_space<vmem>>
          %dma_start3A_135 = tpu.memref_squeeze %dma_start3A_134 : memref<1x32xi32, #tpu.memory_space<vmem>> -> memref<32xi32, #tpu.memory_space<vmem>>
          %dma_start3A_136 = arith.constant 0 : i32
          %dma_start3A_137 = arith.constant 0 : i32
          %dma_start3A_138 = tpu.memref_slice %arg2[%dma_start3A_136, %dma_start3A_137] : memref<20000x128xf32, #tpu.memory_space<hbm>> -> memref<20000x128xf32, #tpu.memory_space<hbm>>
          tpu.enqueue_indirect_dma source(%dma_start3A_138 : memref<20000x128xf32, #tpu.memory_space<hbm>>) target(%dma_start3A_132 : memref<32x128xf32, #tpu.memory_space<vmem>>) offsets(%dma_start3A_135 : memref<32xi32, #tpu.memory_space<vmem>>) semaphore(%arg11 : memref<!tpu.dma_semaphore, #tpu.memory_space<semaphore_mem>>)
          %dma_start3A_139 = arith.constant 64 : i32
          %dma_start3A_140 = arith.constant 0 : i32
          %dma_start3A_141 = tpu.memref_slice %arg9[%dma_start3A_139, %dma_start3A_140] : memref<128x128xf32, #tpu.memory_space<vmem>> -> memref<32x128xf32, #tpu.memory_space<vmem>>
          %dma_start3A_142 = arith.constant 64 : i32
          %dma_start3A_143 = tpu.memref_slice %arg7[%add3A_120, %dma_start3A_142] : memref<40x128xi32, #tpu.memory_space<vmem>> -> memref<1x32xi32, #tpu.memory_space<vmem>>
          %dma_start3A_144 = tpu.memref_squeeze %dma_start3A_143 : memref<1x32xi32, #tpu.memory_space<vmem>> -> memref<32xi32, #tpu.memory_space<vmem>>
          %dma_start3A_145 = arith.constant 0 : i32
          %dma_start3A_146 = arith.constant 0 : i32
          %dma_start3A_147 = tpu.memref_slice %arg2[%dma_start3A_145, %dma_start3A_146] : memref<20000x128xf32, #tpu.memory_space<hbm>> -> memref<20000x128xf32, #tpu.memory_space<hbm>>
          tpu.enqueue_indirect_dma source(%dma_start3A_147 : memref<20000x128xf32, #tpu.memory_space<hbm>>) target(%dma_start3A_141 : memref<32x128xf32, #tpu.memory_space<vmem>>) offsets(%dma_start3A_144 : memref<32xi32, #tpu.memory_space<vmem>>) semaphore(%arg11 : memref<!tpu.dma_semaphore, #tpu.memory_space<semaphore_mem>>)
          %dma_start3A_148 = arith.constant 96 : i32
          %dma_start3A_149 = arith.constant 0 : i32
          %dma_start3A_150 = tpu.memref_slice %arg9[%dma_start3A_148, %dma_start3A_149] : memref<128x128xf32, #tpu.memory_space<vmem>> -> memref<32x128xf32, #tpu.memory_space<vmem>>
          %dma_start3A_151 = arith.constant 96 : i32
          %dma_start3A_152 = tpu.memref_slice %arg7[%add3A_120, %dma_start3A_151] : memref<40x128xi32, #tpu.memory_space<vmem>> -> memref<1x32xi32, #tpu.memory_space<vmem>>
          %dma_start3A_153 = tpu.memref_squeeze %dma_start3A_152 : memref<1x32xi32, #tpu.memory_space<vmem>> -> memref<32xi32, #tpu.memory_space<vmem>>
          %dma_start3A_154 = arith.constant 0 : i32
          %dma_start3A_155 = arith.constant 0 : i32
          %dma_start3A_156 = tpu.memref_slice %arg2[%dma_start3A_154, %dma_start3A_155] : memref<20000x128xf32, #tpu.memory_space<hbm>> -> memref<20000x128xf32, #tpu.memory_space<hbm>>
          tpu.enqueue_indirect_dma source(%dma_start3A_156 : memref<20000x128xf32, #tpu.memory_space<hbm>>) target(%dma_start3A_150 : memref<32x128xf32, #tpu.memory_space<vmem>>) offsets(%dma_start3A_153 : memref<32xi32, #tpu.memory_space<vmem>>) semaphore(%arg11 : memref<!tpu.dma_semaphore, #tpu.memory_space<semaphore_mem>>)
        } else {
        }
        %add3A_117 = arith.constant 1 : i32
        %add3A_118 = arith.addi %mul3A_62, %add3A_117 : i32
        "tpu.region"() ({
          %run_scoped3A = tpu.sem_alloc : memref<!tpu.dma_semaphore, #tpu.memory_space<semaphore_mem>>
          %dma_start3A_119 = arith.constant 0 : i32
          %dma_start3A_120 = tpu.memref_slice %arg8[%add3A_118, %dma_start3A_119] : memref<40x128xi32, #tpu.memory_space<vmem>> -> memref<1x128xi32, #tpu.memory_space<vmem>>
          %dma_start3A_121 = tpu.memref_squeeze %dma_start3A_120 : memref<1x128xi32, #tpu.memory_space<vmem>> -> memref<128xi32, #tpu.memory_space<vmem>>
          %dma_start3A_122 = arith.constant 0 : i32
          %dma_start3A_123 = arith.constant 0 : i32
          %dma_start3A_124 = tpu.memref_slice %arg12[%dma_start3A_122, %dma_start3A_123] : memref<10112x128xf32, #tpu.memory_space<vmem_shared>> -> memref<10112x128xf32, #tpu.memory_space<vmem_shared>>
          tpu.enqueue_indirect_dma source(%arg10 : memref<128x128xf32, #tpu.memory_space<vmem>>) target(%dma_start3A_124 : memref<10112x128xf32, #tpu.memory_space<vmem_shared>>) offsets(%dma_start3A_121 : memref<128xi32, #tpu.memory_space<vmem>>) semaphore(%run_scoped3A : memref<!tpu.dma_semaphore, #tpu.memory_space<semaphore_mem>>) {add = true}
          %dma_wait3A_125 = arith.constant 0 : i32
          %dma_wait3A_126 = tpu.memref_slice %arg8[%add3A_118, %dma_wait3A_125] : memref<40x128xi32, #tpu.memory_space<vmem>> -> memref<1x128xi32, #tpu.memory_space<vmem>>
          %dma_wait3A_127 = tpu.memref_squeeze %dma_wait3A_126 : memref<1x128xi32, #tpu.memory_space<vmem>> -> memref<128xi32, #tpu.memory_space<vmem>>
          %dma_wait3A_128 = arith.constant 0 : i32
          %dma_wait3A_129 = arith.constant 0 : i32
          %dma_wait3A_130 = tpu.memref_slice %arg12[%dma_wait3A_128, %dma_wait3A_129] : memref<10112x128xf32, #tpu.memory_space<vmem_shared>> -> memref<10112x128xf32, #tpu.memory_space<vmem_shared>>
          tpu.wait_indirect_dma semaphore(%run_scoped3A : memref<!tpu.dma_semaphore, #tpu.memory_space<semaphore_mem>>) src(%arg10 : memref<128x128xf32, #tpu.memory_space<vmem>>) dst(%dma_wait3A_130 : memref<10112x128xf32, #tpu.memory_space<vmem_shared>>)
          tpu.yield
        }) : () -> ()
      }
      %scan3A_59 = arith.constant 20 : i32
    }
    %scan3A_5 = arith.constant 2 : i32
    %barrier3A_6 = arith.constant 0 : index
    tpu.barrier barrier_id(%barrier3A_6)
    %mul3A_7 = arith.constant 632 : i32
    %mul3A_8 = arith.muli %arg1, %mul3A_7 : i32
    %mul3A_9 = arith.constant 632 : i32
    %mul3A_10 = arith.muli %arg1, %mul3A_9 : i32
    "tpu.region"() ({
      %run_scoped3A = tpu.sem_alloc : memref<!tpu.dma_semaphore, #tpu.memory_space<semaphore_mem>>
      %dma_start3A = arith.constant 0 : i32
      %dma_start3A_11 = tpu.memref_slice %arg6[%arg0, %mul3A_10, %dma_start3A] : memref<2x10112x128xf32, #tpu.memory_space<hbm>> -> memref<1x632x128xf32, #tpu.memory_space<hbm>>
      %dma_start3A_12 = tpu.memref_squeeze %dma_start3A_11 : memref<1x632x128xf32, #tpu.memory_space<hbm>> -> memref<632x128xf32, #tpu.memory_space<hbm>>
      %dma_start3A_13 = arith.constant 0 : i32
      %dma_start3A_14 = tpu.memref_slice %arg12[%mul3A_8, %dma_start3A_13] : memref<10112x128xf32, #tpu.memory_space<vmem_shared>> -> memref<632x128xf32, #tpu.memory_space<vmem_shared>>
      tpu.enqueue_dma source(%dma_start3A_14 : memref<632x128xf32, #tpu.memory_space<vmem_shared>>) target(%dma_start3A_12 : memref<632x128xf32, #tpu.memory_space<hbm>>) target_semaphore(%run_scoped3A : memref<!tpu.dma_semaphore, #tpu.memory_space<semaphore_mem>>)
      %dma_wait3A = arith.constant 0 : i32
      %dma_wait3A_15 = tpu.memref_slice %arg6[%arg0, %mul3A_10, %dma_wait3A] : memref<2x10112x128xf32, #tpu.memory_space<hbm>> -> memref<1x632x128xf32, #tpu.memory_space<hbm>>
      %dma_wait3A_16 = tpu.memref_squeeze %dma_wait3A_15 : memref<1x632x128xf32, #tpu.memory_space<hbm>> -> memref<632x128xf32, #tpu.memory_space<hbm>>
      %dma_wait3A_17 = arith.constant 0 : i32
      %dma_wait3A_18 = tpu.memref_slice %arg12[%mul3A_8, %dma_wait3A_17] : memref<10112x128xf32, #tpu.memory_space<vmem_shared>> -> memref<632x128xf32, #tpu.memory_space<vmem_shared>>
      tpu.wait_dma2 semaphore(%run_scoped3A : memref<!tpu.dma_semaphore, #tpu.memory_space<semaphore_mem>>) src(%dma_wait3A_18 : memref<632x128xf32, #tpu.memory_space<vmem_shared>>) dst(%dma_wait3A_16 : memref<632x128xf32, #tpu.memory_space<hbm>>)
      tpu.yield
    }) : () -> ()
    return
  }
}

module attributes {stable_mosaic.version = 14 : i64} {
  func.func @_tc_prescale_body(%arg0: i32, %arg1: memref<1000x256xf32, #tpu.memory_space<vmem>>, %arg2: memref<256x256xf32, #tpu.memory_space<vmem>>, %arg3: memref<2x1000x128xf32, #tpu.memory_space<vmem>>, %arg4: memref<2x1000x128xf32, #tpu.memory_space<vmem>>) attributes {dimension_semantics = [#tpu.dimension_semantics<arbitrary>], iteration_bounds = array<i64: 10>, scalar_prefetch = 0 : i64, scratch_operands = 0 : i64, tpu.core_type = #tpu.core_type<tc>, window_params = [{transform_indices = @transform_0, window_bounds = array<i64: 1000, 256>}, {pipeline_mode = #tpu.pipeline_mode<synchronous>, transform_indices = @transform_1, window_bounds = array<i64: 256, 256>}, {transform_indices = @transform_2, window_bounds = array<i64: 2, 1000, 128>}, {transform_indices = @transform_3, window_bounds = array<i64: 2, 1000, 128>}]} {
    %get3A = arith.constant 0 : index
    %get3A_0 = arith.constant 0 : index
    %get3A_1 = vector.load %arg1[%get3A, %get3A_0] : memref<1000x256xf32, #tpu.memory_space<vmem>>, vector<1000x256xf32>
    %get3A_2 = arith.constant 0 : index
    %get3A_3 = arith.constant 0 : index
    %get3A_4 = vector.load %arg2[%get3A_2, %get3A_3] : memref<256x256xf32, #tpu.memory_space<vmem>>, vector<256x256xf32>
    %dot_general3A = arith.constant dense<0.000000e+00> : vector<1000x256xf32>
    %dot_general3A_5 = tpu.matmul %get3A_1, %get3A_4, %dot_general3A {dimension_numbers = #tpu.dot_dimension_numbers<[1], [0], [0], [1], [0, 0, 1, 1], [], []>, transpose_lhs_hint = false} : vector<1000x256xf32>, vector<256x256xf32>, vector<1000x256xf32> -> vector<1000x256xf32>
    %get3A_6 = arith.constant 0 : index
    %get3A_7 = arith.constant 0 : index
    %get3A_8 = arith.constant 0 : index
    %get3A_9 = vector.load %arg3[%get3A_6, %get3A_7, %get3A_8] : memref<2x1000x128xf32, #tpu.memory_space<vmem>>, vector<1x1000x1xf32>
    %get3A_10 = vector.shape_cast %get3A_9 : vector<1x1000x1xf32> to vector<1000xf32>
    %add3A = arith.constant 1.000000e+00 : f32
    %add3A_11 = vector.broadcast %add3A : f32 to vector<1000xf32>
    %add3A_12 = arith.addf %add3A_11, %get3A_10 : vector<1000xf32>
    %get3A_13 = arith.constant 1 : index
    %get3A_14 = arith.constant 0 : index
    %get3A_15 = arith.constant 0 : index
    %get3A_16 = vector.load %arg3[%get3A_13, %get3A_14, %get3A_15] : memref<2x1000x128xf32, #tpu.memory_space<vmem>>, vector<1x1000x1xf32>
    %get3A_17 = vector.shape_cast %get3A_16 : vector<1x1000x1xf32> to vector<1000xf32>
    %add3A_18 = arith.addf %add3A_12, %get3A_17 : vector<1000xf32>
    %rsqrt3A = math.rsqrt %add3A_18 : vector<1000xf32>
    %broadcast_in_dim3A = vector.shape_cast %rsqrt3A : vector<1000xf32> to vector<1000x1xf32>
    %mul3A = vector.broadcast %broadcast_in_dim3A : vector<1000x1xf32> to vector<1000x256xf32>
    %mul3A_19 = arith.mulf %dot_general3A_5, %mul3A : vector<1000x256xf32>
    %slice3A = vector.extract_strided_slice %mul3A_19 {offsets = [0, 0], sizes = [1000, 128], strides = [1, 1]} : vector<1000x256xf32> to vector<1000x128xf32>
    %swap3A = arith.constant 0 : index
    %swap3A_20 = arith.constant 0 : index
    %swap3A_21 = arith.constant 0 : index
    %swap3A_22 = vector.load %arg4[%swap3A, %swap3A_20, %swap3A_21] : memref<2x1000x128xf32, #tpu.memory_space<vmem>>, vector<1x1000x128xf32>
    %swap3A_23 = vector.shape_cast %swap3A_22 : vector<1x1000x128xf32> to vector<1000x128xf32>
    %swap3A_24 = vector.shape_cast %slice3A : vector<1000x128xf32> to vector<1x1000x128xf32>
    tpu.vector_store %arg4[%swap3A, %swap3A_20, %swap3A_21], %swap3A_24 {strides = array<i32>} : memref<2x1000x128xf32, #tpu.memory_space<vmem>>, vector<1x1000x128xf32>,
    %slice3A_25 = vector.extract_strided_slice %mul3A_19 {offsets = [0, 128], sizes = [1000, 128], strides = [1, 1]} : vector<1000x256xf32> to vector<1000x128xf32>
    %swap3A_26 = arith.constant 1 : index
    %swap3A_27 = arith.constant 0 : index
    %swap3A_28 = arith.constant 0 : index
    %swap3A_29 = vector.load %arg4[%swap3A_26, %swap3A_27, %swap3A_28] : memref<2x1000x128xf32, #tpu.memory_space<vmem>>, vector<1x1000x128xf32>
    %swap3A_30 = vector.shape_cast %swap3A_29 : vector<1x1000x128xf32> to vector<1000x128xf32>
    %swap3A_31 = vector.shape_cast %slice3A_25 : vector<1000x128xf32> to vector<1x1000x128xf32>
    tpu.vector_store %arg4[%swap3A_26, %swap3A_27, %swap3A_28], %swap3A_31 {strides = array<i32>} : memref<2x1000x128xf32, #tpu.memory_space<vmem>>, vector<1x1000x128xf32>,
    return
  }
  func.func @transform_0(%arg0: i32) -> (i32, i32) {
    %c0_i32 = arith.constant 0 : i32
    %c0_i32_0 = arith.constant 0 : i32
    return %arg0, %c0_i32 : i32, i32
  }
  func.func @transform_1(%arg0: i32) -> (i32, i32) {
    %c0_i32 = arith.constant 0 : i32
    %c0_i32_0 = arith.constant 0 : i32
    %c0_i32_1 = arith.constant 0 : i32
    return %c0_i32, %c0_i32_0 : i32, i32
  }
  func.func @transform_2(%arg0: i32) -> (i32, i32, i32) {
    %c0_i32 = arith.constant 0 : i32
    %c0_i32_0 = arith.constant 0 : i32
    %c0_i32_1 = arith.constant 0 : i32
    return %c0_i32, %arg0, %c0_i32_0 : i32, i32, i32
  }
  func.func @transform_3(%arg0: i32) -> (i32, i32, i32) {
    %c0_i32 = arith.constant 0 : i32
    %c0_i32_0 = arith.constant 0 : i32
    %c0_i32_1 = arith.constant 0 : i32
    return %c0_i32, %arg0, %c0_i32_0 : i32, i32, i32
  }
}

module attributes {stable_mosaic.version = 14 : i64} {
  func.func @_tc_post_body(%arg0: i32, %arg1: i32, %arg2: memref<1000x256xf32, #tpu.memory_space<vmem>>, %arg3: memref<2x1000x128xf32, #tpu.memory_space<vmem>>, %arg4: memref<2x1000x128xf32, #tpu.memory_space<vmem>>, %arg5: memref<2x1000x128xf32, #tpu.memory_space<vmem>>, %arg6: memref<1x256xf32, #tpu.memory_space<vmem>>, %arg7: memref<1x1xf32, #tpu.memory_space<vmem>>, %arg8: memref<1x256xf32, #tpu.memory_space<vmem>>, %arg9: memref<1x256xf32, #tpu.memory_space<vmem>>, %arg10: memref<1x256xf32, #tpu.memory_space<vmem>>, %arg11: memref<1000x256xf32, #tpu.memory_space<vmem>>, %arg12: memref<10000x256xf32, #tpu.memory_space<vmem>>, %arg13: memref<2x256xf32, #tpu.memory_space<vmem>>) attributes {dimension_semantics = [#tpu.dimension_semantics<arbitrary>, #tpu.dimension_semantics<arbitrary>], iteration_bounds = array<i64: 2, 10>, scalar_prefetch = 0 : i64, scratch_operands = 2 : i64, tpu.core_type = #tpu.core_type<tc>, window_params = [{transform_indices = @transform_0, window_bounds = array<i64: 1000, 256>}, {transform_indices = @transform_1, window_bounds = array<i64: 2, 1000, 128>}, {transform_indices = @transform_2, window_bounds = array<i64: 2, 1000, 128>}, {transform_indices = @transform_3, window_bounds = array<i64: 2, 1000, 128>}, {pipeline_mode = #tpu.pipeline_mode<synchronous>, transform_indices = @transform_4, window_bounds = array<i64: 1, 256>}, {pipeline_mode = #tpu.pipeline_mode<synchronous>, transform_indices = @transform_5, window_bounds = array<i64: 1, 1>}, {pipeline_mode = #tpu.pipeline_mode<synchronous>, transform_indices = @transform_6, window_bounds = array<i64: 1, 256>}, {pipeline_mode = #tpu.pipeline_mode<synchronous>, transform_indices = @transform_7, window_bounds = array<i64: 1, 256>}, {pipeline_mode = #tpu.pipeline_mode<synchronous>, transform_indices = @transform_8, window_bounds = array<i64: 1, 256>}, {transform_indices = @transform_9, window_bounds = array<i64: 1000, 256>}]} {
    %eq3A = arith.constant 0 : i32
    %eq3A_0 = arith.cmpi eq, %arg0, %eq3A : i32
    %convert_element_type3A = arith.extui %eq3A_0 : i1 to i32
    %cond3A = arith.constant 0 : i32
    %cond3A_1 = arith.cmpi ne, %convert_element_type3A, %cond3A : i32
    scf.if %cond3A_1 {
      %get3A = arith.constant 0 : index
      %get3A_7 = arith.constant 0 : index
      %get3A_8 = vector.load %arg2[%get3A, %get3A_7] : memref<1000x256xf32, #tpu.memory_space<vmem>>, vector<1000x256xf32>
      %get3A_9 = arith.constant 0 : index
      %get3A_10 = arith.constant 0 : index
      %get3A_11 = arith.constant 0 : index
      %get3A_12 = vector.load %arg5[%get3A_9, %get3A_10, %get3A_11] : memref<2x1000x128xf32, #tpu.memory_space<vmem>>, vector<1x1000x1xf32>
      %get3A_13 = vector.shape_cast %get3A_12 : vector<1x1000x1xf32> to vector<1000xf32>
      %add3A = arith.constant 1.000000e+00 : f32
      %add3A_14 = vector.broadcast %add3A : f32 to vector<1000xf32>
      %add3A_15 = arith.addf %add3A_14, %get3A_13 : vector<1000xf32>
      %get3A_16 = arith.constant 1 : index
      %get3A_17 = arith.constant 0 : index
      %get3A_18 = arith.constant 0 : index
      %get3A_19 = vector.load %arg5[%get3A_16, %get3A_17, %get3A_18] : memref<2x1000x128xf32, #tpu.memory_space<vmem>>, vector<1x1000x1xf32>
      %get3A_20 = vector.shape_cast %get3A_19 : vector<1x1000x1xf32> to vector<1000xf32>
      %add3A_21 = arith.addf %add3A_15, %get3A_20 : vector<1000xf32>
      %rsqrt3A = math.rsqrt %add3A_21 : vector<1000xf32>
      %broadcast_in_dim3A = vector.shape_cast %rsqrt3A : vector<1000xf32> to vector<1000x1xf32>
      %get3A_22 = arith.constant 0 : index
      %get3A_23 = arith.constant 0 : index
      %get3A_24 = arith.constant 0 : index
      %get3A_25 = vector.load %arg3[%get3A_22, %get3A_23, %get3A_24] : memref<2x1000x128xf32, #tpu.memory_space<vmem>>, vector<1x1000x128xf32>
      %get3A_26 = vector.shape_cast %get3A_25 : vector<1x1000x128xf32> to vector<1000x128xf32>
      %get3A_27 = arith.constant 1 : index
      %get3A_28 = arith.constant 0 : index
      %get3A_29 = arith.constant 0 : index
      %get3A_30 = vector.load %arg3[%get3A_27, %get3A_28, %get3A_29] : memref<2x1000x128xf32, #tpu.memory_space<vmem>>, vector<1x1000x128xf32>
      %get3A_31 = vector.shape_cast %get3A_30 : vector<1x1000x128xf32> to vector<1000x128xf32>
      %concatenate3A = tpu.concatenate %get3A_26, %get3A_31 in 1 : vector<1000x128xf32>, vector<1000x128xf32> -> vector<1000x256xf32>
      %get3A_32 = arith.constant 0 : index
      %get3A_33 = arith.constant 0 : index
      %get3A_34 = arith.constant 0 : index
      %get3A_35 = vector.load %arg4[%get3A_32, %get3A_33, %get3A_34] : memref<2x1000x128xf32, #tpu.memory_space<vmem>>, vector<1x1000x128xf32>
      %get3A_36 = vector.shape_cast %get3A_35 : vector<1x1000x128xf32> to vector<1000x128xf32>
      %get3A_37 = arith.constant 1 : index
      %get3A_38 = arith.constant 0 : index
      %get3A_39 = arith.constant 0 : index
      %get3A_40 = vector.load %arg4[%get3A_37, %get3A_38, %get3A_39] : memref<2x1000x128xf32, #tpu.memory_space<vmem>>, vector<1x1000x128xf32>
      %get3A_41 = vector.shape_cast %get3A_40 : vector<1x1000x128xf32> to vector<1000x128xf32>
      %concatenate3A_42 = tpu.concatenate %get3A_36, %get3A_41 in 1 : vector<1000x128xf32>, vector<1000x128xf32> -> vector<1000x256xf32>
      %add3A_43 = arith.addf %concatenate3A_42, %concatenate3A : vector<1000x256xf32>
      %mul3A = vector.broadcast %broadcast_in_dim3A : vector<1000x1xf32> to vector<1000x256xf32>
      %mul3A_44 = arith.mulf %mul3A, %add3A_43 : vector<1000x256xf32>
      %get3A_45 = arith.constant 0 : index
      %get3A_46 = arith.constant 0 : index
      %get3A_47 = vector.load %arg6[%get3A_45, %get3A_46] : memref<1x256xf32, #tpu.memory_space<vmem>>, vector<1x256xf32>
      %add3A_48 = vector.broadcast %get3A_47 : vector<1x256xf32> to vector<1000x256xf32>
      %add3A_49 = arith.addf %mul3A_44, %add3A_48 : vector<1000x256xf32>
      %mul3A_50 = arith.mulf %add3A_49, %add3A_49 : vector<1000x256xf32>
      %reduce_sum3A = arith.constant dense<0.000000e+00> : vector<1000xf32>
      %reduce_sum3A_51 = vector.multi_reduction <add>, %mul3A_50, %reduce_sum3A [1] : vector<1000x256xf32> to vector<1000xf32>
      %broadcast_in_dim3A_52 = vector.shape_cast %reduce_sum3A_51 : vector<1000xf32> to vector<1000x1xf32>
      %sqrt3A = math.sqrt %broadcast_in_dim3A_52 : vector<1000x1xf32>
      %max3A = arith.constant 9.99999996E-13 : f32
      %max3A_53 = vector.broadcast %max3A : f32 to vector<1000x1xf32>
      %max3A_54 = arith.maximumf %sqrt3A, %max3A_53 : vector<1000x1xf32>
      %div3A = vector.broadcast %max3A_54 : vector<1000x1xf32> to vector<1000x256xf32>
      %div3A_55 = arith.divf %add3A_49, %div3A : vector<1000x256xf32>
      %mul3A_56 = arith.mulf %get3A_8, %get3A_8 : vector<1000x256xf32>
      %reduce_sum3A_57 = arith.constant dense<0.000000e+00> : vector<1000xf32>
      %reduce_sum3A_58 = vector.multi_reduction <add>, %mul3A_56, %reduce_sum3A_57 [1] : vector<1000x256xf32> to vector<1000xf32>
      %broadcast_in_dim3A_59 = vector.shape_cast %reduce_sum3A_58 : vector<1000xf32> to vector<1000x1xf32>
      %sqrt3A_60 = math.sqrt %broadcast_in_dim3A_59 : vector<1000x1xf32>
      %mul3A_61 = vector.broadcast %sqrt3A_60 : vector<1000x1xf32> to vector<1000x256xf32>
      %mul3A_62 = arith.mulf %div3A_55, %mul3A_61 : vector<1000x256xf32>
      %get3A_63 = arith.constant 0 : index
      %get3A_64 = arith.constant 0 : index
      %get3A_65 = vector.load %arg7[%get3A_63, %get3A_64] : memref<1x1xf32, #tpu.memory_space<vmem>>, vector<1x1xf32>
      %get3A_66 = vector.extract %get3A_65[0, 0] : f32 from vector<1x1xf32>
      %mul3A_67 = vector.broadcast %get3A_66 : f32 to vector<1000x256xf32>
      %mul3A_68 = arith.mulf %mul3A_62, %mul3A_67 : vector<1000x256xf32>
      %add3A_69 = arith.addf %get3A_8, %mul3A_68 : vector<1000x256xf32>
      %mul3A_70 = arith.constant 1000 : i32
      %mul3A_71 = arith.muli %arg1, %mul3A_70 : i32
      %swap3A = arith.index_cast %mul3A_71 : i32 to index
      %swap3A_72 = arith.constant 0 : index
      %swap3A_73 = vector.load %arg12[%swap3A, %swap3A_72] : memref<10000x256xf32, #tpu.memory_space<vmem>>, vector<1000x256xf32>
      tpu.vector_store %arg12[%swap3A, %swap3A_72], %add3A_69 {strides = array<i32>} : memref<10000x256xf32, #tpu.memory_space<vmem>>, vector<1000x256xf32>,
      %reduce_sum3A_74 = arith.constant dense<0.000000e+00> : vector<256xf32>
      %reduce_sum3A_75 = vector.multi_reduction <add>, %add3A_69, %reduce_sum3A_74 [0] : vector<1000x256xf32> to vector<256xf32>
      %broadcast_in_dim3A_76 = vector.shape_cast %reduce_sum3A_75 : vector<256xf32> to vector<1x256xf32>
      %mul3A_77 = arith.mulf %add3A_69, %add3A_69 : vector<1000x256xf32>
      %reduce_sum3A_78 = arith.constant dense<0.000000e+00> : vector<256xf32>
      %reduce_sum3A_79 = vector.multi_reduction <add>, %mul3A_77, %reduce_sum3A_78 [0] : vector<1000x256xf32> to vector<256xf32>
      %broadcast_in_dim3A_80 = vector.shape_cast %reduce_sum3A_79 : vector<256xf32> to vector<1x256xf32>
      %concatenate3A_81 = tpu.concatenate %broadcast_in_dim3A_76, %broadcast_in_dim3A_80 in 0 : vector<1x256xf32>, vector<1x256xf32> -> vector<2x256xf32>
      %eq3A_82 = arith.constant 0 : i32
      %eq3A_83 = arith.cmpi eq, %arg1, %eq3A_82 : i32
      %convert_element_type3A_84 = arith.extui %eq3A_83 : i1 to i32
      %cond3A_85 = arith.constant 0 : i32
      %cond3A_86 = arith.cmpi ne, %convert_element_type3A_84, %cond3A_85 : i32
      scf.if %cond3A_86 {
        %swap3A_91 = arith.constant 0 : index
        %swap3A_92 = arith.constant 0 : index
        %swap3A_93 = vector.load %arg13[%swap3A_91, %swap3A_92] : memref<2x256xf32, #tpu.memory_space<vmem>>, vector<2x256xf32>
        tpu.vector_store %arg13[%swap3A_91, %swap3A_92], %concatenate3A_81 {strides = array<i32>} : memref<2x256xf32, #tpu.memory_space<vmem>>, vector<2x256xf32>,
      } else {
      }
      %gt3A = arith.constant 0 : i32
      %gt3A_87 = arith.cmpi sgt, %arg1, %gt3A : i32
      %convert_element_type3A_88 = arith.extui %gt3A_87 : i1 to i32
      %cond3A_89 = arith.constant 0 : i32
      %cond3A_90 = arith.cmpi ne, %convert_element_type3A_88, %cond3A_89 : i32
      scf.if %cond3A_90 {
        %get3A_91 = arith.constant 0 : index
        %get3A_92 = arith.constant 0 : index
        %get3A_93 = vector.load %arg13[%get3A_91, %get3A_92] : memref<2x256xf32, #tpu.memory_space<vmem>>, vector<2x256xf32>
        %add3A_94 = arith.addf %get3A_93, %concatenate3A_81 : vector<2x256xf32>
        %swap3A_95 = arith.constant 0 : index
        %swap3A_96 = arith.constant 0 : index
        %swap3A_97 = vector.load %arg13[%swap3A_95, %swap3A_96] : memref<2x256xf32, #tpu.memory_space<vmem>>, vector<2x256xf32>
        tpu.vector_store %arg13[%swap3A_95, %swap3A_96], %add3A_94 {strides = array<i32>} : memref<2x256xf32, #tpu.memory_space<vmem>>, vector<2x256xf32>,
      } else {
      }
    } else {
    }
    %eq3A_2 = arith.constant 1 : i32
    %eq3A_3 = arith.cmpi eq, %arg0, %eq3A_2 : i32
    %convert_element_type3A_4 = arith.extui %eq3A_3 : i1 to i32
    %cond3A_5 = arith.constant 0 : i32
    %cond3A_6 = arith.cmpi ne, %convert_element_type3A_4, %cond3A_5 : i32
    scf.if %cond3A_6 {
      %mul3A = arith.constant 1000 : i32
      %mul3A_7 = arith.muli %arg1, %mul3A : i32
      %get3A = arith.index_cast %mul3A_7 : i32 to index
      %get3A_8 = arith.constant 0 : index
      %get3A_9 = vector.load %arg12[%get3A, %get3A_8] : memref<10000x256xf32, #tpu.memory_space<vmem>>, vector<1000x256xf32>
      %get3A_10 = arith.constant 0 : index
      %get3A_11 = arith.constant 0 : index
      %get3A_12 = vector.load %arg13[%get3A_10, %get3A_11] : memref<2x256xf32, #tpu.memory_space<vmem>>, vector<1x256xf32>
      %mul3A_13 = arith.constant 9.99999974E-5 : f32
      %mul3A_14 = vector.broadcast %mul3A_13 : f32 to vector<1x256xf32>
      %mul3A_15 = arith.mulf %get3A_12, %mul3A_14 : vector<1x256xf32>
      %get3A_16 = arith.constant 1 : index
      %get3A_17 = arith.constant 0 : index
      %get3A_18 = vector.load %arg13[%get3A_16, %get3A_17] : memref<2x256xf32, #tpu.memory_space<vmem>>, vector<1x256xf32>
      %mul3A_19 = arith.constant 9.99999974E-5 : f32
      %mul3A_20 = vector.broadcast %mul3A_19 : f32 to vector<1x256xf32>
      %mul3A_21 = arith.mulf %get3A_18, %mul3A_20 : vector<1x256xf32>
      %get3A_22 = arith.constant 0 : index
      %get3A_23 = arith.constant 0 : index
      %get3A_24 = vector.load %arg10[%get3A_22, %get3A_23] : memref<1x256xf32, #tpu.memory_space<vmem>>, vector<1x256xf32>
      %mul3A_25 = arith.mulf %get3A_24, %mul3A_15 : vector<1x256xf32>
      %mul3A_26 = arith.constant 2.000000e+00 : f32
      %mul3A_27 = vector.broadcast %mul3A_26 : f32 to vector<1x256xf32>
      %mul3A_28 = arith.mulf %mul3A_27, %mul3A_25 : vector<1x256xf32>
      %mul3A_29 = arith.mulf %mul3A_28, %mul3A_15 : vector<1x256xf32>
      %sub3A = arith.subf %mul3A_21, %mul3A_29 : vector<1x256xf32>
      %mul3A_30 = arith.mulf %mul3A_25, %mul3A_25 : vector<1x256xf32>
      %add3A = arith.addf %sub3A, %mul3A_30 : vector<1x256xf32>
      %sub3A_31 = vector.broadcast %mul3A_25 : vector<1x256xf32> to vector<1000x256xf32>
      %sub3A_32 = arith.subf %get3A_9, %sub3A_31 : vector<1000x256xf32>
      %get3A_33 = arith.constant 0 : index
      %get3A_34 = arith.constant 0 : index
      %get3A_35 = vector.load %arg8[%get3A_33, %get3A_34] : memref<1x256xf32, #tpu.memory_space<vmem>>, vector<1x256xf32>
      %add3A_36 = arith.constant 9.99999974E-6 : f32
      %add3A_37 = vector.broadcast %add3A_36 : f32 to vector<1x256xf32>
      %add3A_38 = arith.addf %add3A, %add3A_37 : vector<1x256xf32>
      %rsqrt3A = math.rsqrt %add3A_38 : vector<1x256xf32>
      %mul3A_39 = vector.broadcast %rsqrt3A : vector<1x256xf32> to vector<1000x256xf32>
      %mul3A_40 = arith.mulf %sub3A_32, %mul3A_39 : vector<1000x256xf32>
      %mul3A_41 = vector.broadcast %get3A_35 : vector<1x256xf32> to vector<1000x256xf32>
      %mul3A_42 = arith.mulf %mul3A_41, %mul3A_40 : vector<1000x256xf32>
      %get3A_43 = arith.constant 0 : index
      %get3A_44 = arith.constant 0 : index
      %get3A_45 = vector.load %arg9[%get3A_43, %get3A_44] : memref<1x256xf32, #tpu.memory_space<vmem>>, vector<1x256xf32>
      %add3A_46 = vector.broadcast %get3A_45 : vector<1x256xf32> to vector<1000x256xf32>
      %add3A_47 = arith.addf %mul3A_42, %add3A_46 : vector<1000x256xf32>
      %mul3A_48 = arith.constant 5.000000e-01 : f32
      %mul3A_49 = vector.broadcast %mul3A_48 : f32 to vector<1000x256xf32>
      %mul3A_50 = arith.mulf %mul3A_49, %add3A_47 : vector<1000x256xf32>
      %mul3A_51 = arith.constant 0.707106769 : f32
      %mul3A_52 = vector.broadcast %mul3A_51 : f32 to vector<1000x256xf32>
      %mul3A_53 = arith.mulf %add3A_47, %mul3A_52 : vector<1000x256xf32>
      %erf3A = math.erf %mul3A_53 : vector<1000x256xf32>
      %add3A_54 = arith.constant 1.000000e+00 : f32
      %add3A_55 = vector.broadcast %add3A_54 : f32 to vector<1000x256xf32>
      %add3A_56 = arith.addf %add3A_55, %erf3A : vector<1000x256xf32>
      %mul3A_57 = arith.mulf %mul3A_50, %add3A_56 : vector<1000x256xf32>
      %swap3A = arith.constant 0 : index
      %swap3A_58 = arith.constant 0 : index
      %swap3A_59 = vector.load %arg11[%swap3A, %swap3A_58] : memref<1000x256xf32, #tpu.memory_space<vmem>>, vector<1000x256xf32>
      tpu.vector_store %arg11[%swap3A, %swap3A_58], %mul3A_57 {strides = array<i32>} : memref<1000x256xf32, #tpu.memory_space<vmem>>, vector<1000x256xf32>,
    } else {
    }
    return
  }
  func.func @transform_0(%arg0: i32, %arg1: i32) -> (i32, i32) {
    %sub3A = arith.constant 1 : i32
    %sub3A_0 = arith.subi %sub3A, %arg0 : i32
    %mul3A = arith.muli %sub3A_0, %arg1 : i32
    %c0_i32 = arith.constant 0 : i32
    %c0_i32_1 = arith.constant 0 : i32
    return %mul3A, %c0_i32 : i32, i32
  }
  func.func @transform_1(%arg0: i32, %arg1: i32) -> (i32, i32, i32) {
    %sub3A = arith.constant 1 : i32
    %sub3A_0 = arith.subi %sub3A, %arg0 : i32
    %mul3A = arith.muli %sub3A_0, %arg1 : i32
    %c0_i32 = arith.constant 0 : i32
    %c0_i32_1 = arith.constant 0 : i32
    %c0_i32_2 = arith.constant 0 : i32
    return %c0_i32, %mul3A, %c0_i32_1 : i32, i32, i32
  }
  func.func @transform_2(%arg0: i32, %arg1: i32) -> (i32, i32, i32) {
    %sub3A = arith.constant 1 : i32
    %sub3A_0 = arith.subi %sub3A, %arg0 : i32
    %mul3A = arith.muli %sub3A_0, %arg1 : i32
    %c0_i32 = arith.constant 0 : i32
    %c0_i32_1 = arith.constant 0 : i32
    %c0_i32_2 = arith.constant 0 : i32
    return %c0_i32, %mul3A, %c0_i32_1 : i32, i32, i32
  }
  func.func @transform_3(%arg0: i32, %arg1: i32) -> (i32, i32, i32) {
    %sub3A = arith.constant 1 : i32
    %sub3A_0 = arith.subi %sub3A, %arg0 : i32
    %mul3A = arith.muli %sub3A_0, %arg1 : i32
    %c0_i32 = arith.constant 0 : i32
    %c0_i32_1 = arith.constant 0 : i32
    %c0_i32_2 = arith.constant 0 : i32
    return %c0_i32, %mul3A, %c0_i32_1 : i32, i32, i32
  }
  func.func @transform_4(%arg0: i32, %arg1: i32) -> (i32, i32) {
    %c0_i32 = arith.constant 0 : i32
    %c0_i32_0 = arith.constant 0 : i32
    %c0_i32_1 = arith.constant 0 : i32
    return %c0_i32, %c0_i32_0 : i32, i32
  }
  func.func @transform_5(%arg0: i32, %arg1: i32) -> (i32, i32) {
    %c0_i32 = arith.constant 0 : i32
    %c0_i32_0 = arith.constant 0 : i32
    %c0_i32_1 = arith.constant 0 : i32
    return %c0_i32, %c0_i32_0 : i32, i32
  }
  func.func @transform_6(%arg0: i32, %arg1: i32) -> (i32, i32) {
    %c0_i32 = arith.constant 0 : i32
    %c0_i32_0 = arith.constant 0 : i32
    %c0_i32_1 = arith.constant 0 : i32
    return %c0_i32, %c0_i32_0 : i32, i32
  }
  func.func @transform_7(%arg0: i32, %arg1: i32) -> (i32, i32) {
    %c0_i32 = arith.constant 0 : i32
    %c0_i32_0 = arith.constant 0 : i32
    %c0_i32_1 = arith.constant 0 : i32
    return %c0_i32, %c0_i32_0 : i32, i32
  }
  func.func @transform_8(%arg0: i32, %arg1: i32) -> (i32, i32) {
    %c0_i32 = arith.constant 0 : i32
    %c0_i32_0 = arith.constant 0 : i32
    %c0_i32_1 = arith.constant 0 : i32
    return %c0_i32, %c0_i32_0 : i32, i32
  }
  func.func @transform_9(%arg0: i32, %arg1: i32) -> (i32, i32) {
    %mul3A = arith.muli %arg0, %arg1 : i32
    %c0_i32 = arith.constant 0 : i32
    %c0_i32_0 = arith.constant 0 : i32
    return %mul3A, %c0_i32 : i32, i32
  }
}

</mosaic_0001>

<sc_bundles>
// kernel: kernel.6.cloned.1.call-start
scs
__scs_entry_jumppad:
0x0: {  	(pc) =	sbr.rel $0x88, $3  }
0x1: {  	(tag) =	ssettag $0x0;
	lr =	simm.s32 $0x1  }
0x2: {  	[smem:$0x3F99] =	sst lr;
	_ =	strace $0xD0000000  }
0x3: {  	_ = 	snop  }
0x4: {  	_ = 	snop  }
0x5: {  	_ = 	snop  }
0x6: {  	_ = 	snop  }
0x7: {  	_ = 	snop  }
__scs_overlays_trampoline_lowered:
0x8: {  	[smem:$0x3FA8] =	sst s0  }
0x9: {  	[smem:$0x3FA9] =	sst s1  }
0xa: {  	[smem:$0x3FAA] =	sst s2  }
0xb: {  	[smem:$0x3FAB] =	sst s3  }
0xc: {  	[smem:$0x3FAC] =	sst s4  }
0xd: {  	[smem:$0x3FAD] =	sst s5  }
0xe: {  	[smem:$0x3FAE] =	sst s6  }
0xf: {  	[smem:$0x3FAF] =	sst s7  }
0x10: {  	[smem:$0x3FB0] =	sst s8  }
0x11: {  	[smem:$0x3FB1] =	sst s9;
	s0 =	simm.s32 @!p0 $0x0  }
0x12: {  	s1 =	sld [smem:$0x3F97];
	s0 =	simm.s32 @p0 $0x1  }
0x13: {  	[smem:$0x3FB2] =	sst s0;
	s0 =	simm.s32 @!p1 $0x0  }
0x14: {  	s2 =	sld [smem:$0x3F96];
	s0 =	simm.s32 @p1 $0x1  }
0x15: {  	[smem:$0x3FB3] =	sst s0;
	s0 =	simm.s32 @!p2 $0x0  }
0x16: {  	s3 =	sld [smem:$0x3FDB];
	s0 =	simm.s32 @p2 $0x1  }
0x17: {  	s4 =	simm.s32 $0x1BF5;
	[smem:$0x3FB5] =	sst s0  }
0x18: {  	s0 =	sld [smem:$0x3F98];
	_ =	swait.ge [sflag:s4], $0x0  }
0x19: {  	s7 =	sld [smem:$0x3F99]  }
0x1a: {  	s8 =	sadd.s32 $0xFFFFE003, lr  }
0x1b: {  	s9 =	sadd.s32 $0xFFFFFEF7, lr;
	s5 =	simm.s32 $0xFFFFFFFF;
	p2 =	slt.u32 s8, $0xFFFFF086  }
0x1c: {  	p1 =	slt.u32 s9, $0xF7A;
	s5 =	simm.s32 @!p2 $0x0  }
0x1d: {  	s5 =	simm.s32 @p1 $0x1;
	p0 =	seq.s32 s7, s2  }
0x1e: {  	s7 =	smul.u32 @!p0 $0xF7A, s2;
	p2 =	seq.s32 @!p0 s5, $0x0  }
0x1f: {  	s9 =	smul.u32 $0xF7A, s1;
	s8 =	simm.s32 @!p0 $0x1BF5;
	p2 =	por !p2, p0  }
0x20: {  	[sflag:s8] =	ssyncset.s32 @!p0 $0xFFFFF086;
	s6 =	sadd.s32 @!p0 s3, s7;
	s7 =	simm.s32 @!p0 $0x108  }
0x21: {  	s3 =	sadd.s32 s3, s9;
	s6 =	sadd.s32 @!p0 $0x88, s6;
	s7 =	simm.s32 @p2 $0x1082  }
0x22: {  	[simem:s7], [sflag:s8] =	dma.local @!p0 [hbm:s6], $0xF7A  }
0x23: {  	s9 =	sor.u32 $0xD0000000, s2;
	s6 =	simm.s32 $0x108;
	_ =	swait.ge @!p0 [sflag:s8], $0x0  }
0x24: {  	s3 =	sadd.s32 $0x88, s3;
	s6 =	simm.s32 @!p1 $0x1082;
	[sflag:s4] =	ssyncset.s32 $0xFFFFF086  }
0x25: {  	[simem:s6], [sflag:s4] =	dma.local [hbm:s3], $0xF7A  }
0x26: {  	[smem:$0x3F99] =	sst s1;
	(tag) =	ssettag s2;
	_ =	strace s9  }
0x27: {  	s1 =	sld [smem:$0x3FA9]  }
0x28: {  	s2 =	sld [smem:$0x3FAA]  }
0x29: {  	s4 =	sld [smem:$0x3FAC]  }
0x2a: {  	p0 =	seq.s32 s5, $0x0;
	s5 =	sld [smem:$0x3FAD]  }
0x2b: {  	s6 =	sld [smem:$0x3FAE]  }
0x2c: {  	s7 =	sld [smem:$0x3FAF]  }
0x2d: {  	s3 =	simm.s32 $0x108;
	s8 =	sld [smem:$0x3FB0]  }
0x2e: {  	s3 =	simm.s32 @!p0 $0x1082;
	s9 =	sld [smem:$0x3FB1]  }
0x2f: {  	lr =	sadd.s32 s0, s3;
	s0 =	sld [smem:$0x3FA8]  }
0x30: {  	s3 =	sld [smem:$0x3FAB]  }
0x31: {  	[smem:$0x3FB4] =	sst s10  }
0x32: {  	s10 =	sld [smem:$0x3FB2];
	_ =	sdelay $0x3  }
0x33: {  	p0 =	seq.s32 s10, $0x1;
	s10 =	sld [smem:$0x3FB4];
	_ =	sdelay $0x3  }
0x34: {  	[smem:$0x3FB4] =	sst s10  }
0x35: {  	s10 =	sld [smem:$0x3FB3];
	_ =	sdelay $0x3  }
0x36: {  	p1 =	seq.s32 s10, $0x1;
	s10 =	sld [smem:$0x3FB4];
	_ =	sdelay $0x3  }
0x37: {  	[smem:$0x3FB4] =	sst s10  }
0x38: {  	s10 =	sld [smem:$0x3FB5]  }
0x39: {  	_ = 	snop;
	(pc) =	sbr.ind lr, $3  }
0x3a: {  	_ = 	snop  }
0x3b: {  	_ = 	snop  }
0x3c: {  	p2 =	seq.s32 s10, $0x1;
	s10 =	sld [smem:$0x3FB4]  }
0x3d: {  	_ =	shalt  }
0x3e: {  	_ =	shalt  }
0x3f: {  	_ =	shalt  }
0x40: {  	_ =	shalt  }
0x41: {  	_ =	shalt  }
0x42: {  	_ =	shalt  }
0x43: {  	_ =	shalt  }
0x44: {  	_ =	shalt  }
0x45: {  	_ =	shalt  }
0x46: {  	_ =	shalt  }
0x47: {  	_ =	shalt  }
0x48: {  	_ =	shalt  }
0x49: {  	_ =	shalt  }
0x4a: {  	_ =	shalt  }
0x4b: {  	_ =	shalt  }
0x4c: {  	_ =	shalt  }
0x4d: {  	_ =	shalt  }
0x4e: {  	_ =	shalt  }
0x4f: {  	_ =	shalt  }
0x50: {  	_ =	shalt  }
0x51: {  	_ =	shalt  }
0x52: {  	_ =	shalt  }
0x53: {  	_ =	shalt  }
0x54: {  	_ =	shalt  }
0x55: {  	_ =	shalt  }
0x56: {  	_ =	shalt  }
0x57: {  	_ =	shalt  }
0x58: {  	_ =	shalt  }
0x59: {  	_ =	shalt  }
0x5a: {  	_ =	shalt  }
0x5b: {  	_ =	shalt  }
0x5c: {  	_ =	shalt  }
0x5d: {  	_ =	shalt  }
0x5e: {  	_ =	shalt  }
0x5f: {  	_ =	shalt  }
0x60: {  	_ =	shalt  }
0x61: {  	_ =	shalt  }
0x62: {  	_ =	shalt  }
0x63: {  	_ =	shalt  }
0x64: {  	_ =	shalt  }
0x65: {  	_ =	shalt  }
0x66: {  	_ =	shalt  }
0x67: {  	_ =	shalt  }
0x68: {  	_ =	shalt  }
0x69: {  	_ =	shalt  }
0x6a: {  	_ =	shalt  }
0x6b: {  	_ =	shalt  }
0x6c: {  	_ =	shalt  }
0x6d: {  	_ =	shalt  }
0x6e: {  	_ =	shalt  }
0x6f: {  	_ =	shalt  }
0x70: {  	_ =	shalt  }
0x71: {  	_ =	shalt  }
0x72: {  	_ =	shalt  }
0x73: {  	_ =	shalt  }
0x74: {  	_ =	shalt  }
0x75: {  	_ =	shalt  }
0x76: {  	_ =	shalt  }
0x77: {  	_ =	shalt  }
0x78: {  	_ =	shalt  }
0x79: {  	_ =	shalt  }
0x7a: {  	_ =	shalt  }
0x7b: {  	_ =	shalt  }
0x7c: {  	_ =	shalt  }
0x7d: {  	_ =	shalt  }
0x7e: {  	_ =	shalt  }
0x7f: {  	_ =	shalt  }
0x80: {  	_ =	shalt  }
0x81: {  	_ =	shalt  }
0x82: {  	_ =	shalt  }
0x83: {  	_ =	shalt  }
0x84: {  	_ =	shalt  }
0x85: {  	_ =	shalt  }
0x86: {  	_ =	shalt  }
0x87: {  	_ =	shalt  }
.Lfunc_end0:
.L_simem_size_0:
called_computation_lowered:
.L_overlay_start_0:
0x88: {  	s2 =	sld [smem:$0x3FD9]  }
0x89: {  	s3 =	sld [smem:$0x3FFE];
	_ =	sdelay $0x1  }
0x8a: {  	s1 =	srdreg.scid  }
0x8b: {  	s0 =	sand.u32 $0x1, s1  }
0x8c: {  	s17 =	sshll.u32 s0, $0xA;
	s2 =	sadd.s32 s3, s2  }
0x8d: {  	s2 =	sadd.s32 s2, s17  }
0x8e: {  	[smem:$0x3FC0] =	sst s2  }
0x8f: {  	_ = 	snop  }
0x90: {  	s2 =	sld [smem:$0x3FD0];
	(tm) =	ssettm $0x1  }
0x91: {  	s18 =	sld [smem:$0x3FFB];
	_ =	sdelay $0x3  }
0x92: {  	_ =	strace s18  }
0x93: {  	s3 =	sld [smem:$0x3FFC];
	_ =	sdelay $0x3  }
0x94: {  	_ =	strace s3  }
0x95: {  	s3 =	sld [smem:$0x3FFD];
	_ =	sdelay $0x3  }
0x96: {  	_ =	strace s3  }
0x97: {  	_ =	strace $0x8FFFFFFF  }
0x98: {  	s19 =	sld [smem:$0x3FDB];
	_ =	sdelay $0x1  }
0x99: {  	s4 =	simm.s32 $_scs_section_size  }
0x9a: {  	s5 =	simm.s32 $_size__tile_overlayer_lowered;
	s6 =	simm.s32 $_tile_overlayer_lowered  }
0x9b: {  	s22 =	simm.s32 $0x1BFF;
	s21 =	sshll.u32 s6, $0x1;
	s3 =	sadd.s32 s4, s19  }
0x9c: {  	s7 =	simm.s32 $0x0;
	s20 =	sshll.u32 s5, $0x1;
	s5 =	sadd.s32 s21, s3  }
0x9d: {  	[timem:s7], [sflag:s22] =	dma.local [hbm:s5], s20  }
0x9e: {  	_ =	swait.ge [sflag:s22], s20  }
0x9f: {  	s4 =	ssub.s32 $0x0, s20;
	[sflag:s22] =	ssyncset.done $0x0  }
0xa0: {  	[sflag:s22] =	ssyncadd.s32 s4;
	_ =	sdelay $0x1  }
0xa1: {  	s23 =	simm.s32 $0x1B8B  }
0xa2: {  	_ =	swait.ge [sflag:s23], $0x1  }
0xa3: {  	[sflag:s23] =	ssyncset.done $0x0  }
0xa4: {  	s25 =	simm.s32 $0x1B8E;
	s24 =	sld [smem:$0x3FFE];
	[sflag:s23] =	ssyncadd.s32 $0xFFFFFFFF  }
0xa5: {  	s26 =	simm.s32 $execute0_lowered;
	[smem:$0x3FD2] =	sst s25  }
0xa6: {  	s5 =	sshll.u32 s26, $0x1;
	_ =	strace $0x80000046;
	[dreg:$0x1] =	wrdreg $0xFFFFFFFF  }
0xa7: {  	s28 =	simm.s32 $_size_execute0_lowered;
	s3 =	sadd.s32 s3, s5;
	[dreg:$0x0] =	wrdreg $0x0  }
0xa8: {  	s5 =	sshll.u32 s28, $0x1;
	[dreg:$0x2] =	wrdreg s3  }
0xa9: {  	[dreg:$0x3] =	wrdreg s5  }
0xaa: {  	[dreg:$0x4] =	wrdreg $0xC0  }
0xab: {  	_ =	task [dreg:s7], $0x5FFFF  }
0xac: {  	[dreg:$0x1] =	wrdreg $0xFFFFFFFF  }
0xad: {  	[dreg:$0x0] =	wrdreg $0x60  }
0xae: {  	[dreg:$0x2] =	wrdreg s24  }
0xaf: {  	[dreg:$0x3] =	wrdreg s2  }
0xb0: {  	[dreg:$0x4] =	wrdreg $0x54000  }
0xb1: {  	[dreg:$0x5] =	wrdreg $0x9  }
0xb2: {  	_ =	task.clear_ibuf [dreg:s7], $0x6FFFF;
	_ =	strace $0x90000046  }
0xb3: {  	s29 =	simm.s32 $0x9;
	_ =	strace $0x80000048  }
0xb4: {  	_ =	swait.ge [sflag:s29], $0x1  }
0xb5: {  	[sflag:s29] =	ssyncadd.s32 $0xFFFFFFFF  }
0xb6: {  	_ =	strace $0x90000048  }
0xb7: {  	_ =	sfence  }
0xb8: {  	s30 =	sld [smem:$0x0];
	_ =	sdelay $0x2  }
0xb9: {  	s31 =	sshll.u32 s1, $0xD;
	s1 =	sshrl.u32 s1, $0x2  }
0xba: {  	s3 =	sand.u32 $0x4000, s31;
	s1 =	sadd.s32 s1, s30  }
0xbb: {  	s0 =	sor.u32 s3, s0;
	s1 =	sshll.u32 s1, $0x11  }
0xbc: {  	s0 =	sor.u32 s1, s0  }
0xbd: {  	s0 =	sadd.s32 $0x8F2B, s0  }
0xbe: {  	[sflag:s0] =	ssyncadd.remote.s32 $0x1  }
0xbf: {  	_ =	sfence.sel $0xFFFF  }
0xc0: {  	[dreg:$0x0] =	wrdreg $0xFFFFFFFF;
	(pc) =	sbr.abs _section_cstart, $3  }
0xc1: {  	[dreg:$0x1] =	wrdreg $0xFFFFFFFF  }
0xc2: {  	_ =	task.clear_ibuf [dreg:s7], $0x2FFFF;
	_ =	strace $0x9FFFFFFF  }
0xc3: {  	(tm) =	ssettm $0x7FFFFFFF  }
tec
execute0_lowered:
.L_overlay_start_1:
0x0: {  	(tag) =	ssettag $0x1  }
0x1: {  	s0 =	srdreg.scid;
	s1 =	rddreg [dreg:$0x0]  }
0x2: {  	s8 =	stileid.u32;
	s3 =	rddreg [dreg:$0x2]  }
0x3: {  	s4 =	simm.s32 $0x0;
	s11 =	simm.s32 $0x2;
	s12 =	simm.s32 $0x1400  }
0x4: {  	s13 =	simm.s32 $0x80;
	s15 =	simm.s32 $0xB80;
	s16 =	simm.s32 $0xC00  }
0x5: {  	s17 =	simm.s32 $0xC80;
	s18 =	simm.s32 $0xD00;
	s19 =	simm.s32 $0xD80  }
0x6: {  	s20 =	simm.s32 $0xE00;
	s21 =	simm.s32 $0xE80;
	s22 =	simm.s32 $0xF00  }
0x7: {  	s23 =	simm.s32 $0xF80;
	s24 =	simm.s32 $0x1000;
	s28 =	simm.s32 $0x1180  }
0x8: {  	s29 =	simm.s32 $0x1200;
	s30 =	simm.s32 $0x1280;
	s31 =	simm.s32 $0x1300  }
0x9: {  	s0 =	sand.u32 $0x1, s0;
	[smem:$0x7FF] =	sst s4;
	s6 =	smul.u32 $0x13C00, s8  }
0xa: {  	s7 =	smul.u32 $0x4F000, s8;
	s26 =	sshll.u32 s8, $0x6;
	s2 =	sshll.u32 s0, $0x4  }
0xb: {  	s5 =	smul.u32 $0x13C000, s0;
	_ =	strace $0x80000047;
	s0 =	ssub.s32 $0x2, s0  }
0xc: {  	s2 =	sor.u32 s8, s2;
	s25 =	sshrl.u32 s0, $0x1;
	s7 =	sshrl.u32 s7, $0x2  }
0xd: {  	s2 =	smul.u32 $0x280, s2;
	s6 =	sadd.s32 s6, s5;
	s5 =	sadd.s32 $0x7400, s1  }
0xe: {  	s0 =	ssub.s32 s0, s25;
	s10 =	sadd.s32 s7, s3;
	s25 =	simm.s32 $0x1080  }
0xf: {  	s6 =	sshrl.u32 s6, $0x3;
	s9 =	smax.u32 s0, $0x1;
	s10 =	sshrl.u32 s10, $0x3  }
0x10: {  	s0 =	simm.s32 $0x1;
	s2 =	sadd.s32 s2, s1;
	s1 =	sadd.s32 s6, s1  }
0x11: {  	s6 =	sor.u32 $0x1C02, s26;
	s26 =	simm.s32 $0x1100;
	s7 =	sadd.s32 $0x2400, s2  }
0x12: {  	s8 =	sadd.s32 $0x9C00, s1;
	s1 =	simm.s32 $0x1380;
	s2 =	simm.s32 $0x0  }
.LBB2_1:
0x13: {  	[spmem:s10], [sflag:s6] =	dma.local [hbm:s5], $0x2780  }
0x14: {  	_ =	swait.ge [sflag:s11], $0x2780  }
0x15: {  	[sflag:s11] =	ssyncset.done $0x0  }
0x16: {  	[sflag:s11] =	ssyncadd.s32 $0xFFFFD880  }
0x17: {  	s14 =	rddreg [dreg:$0x1]  }
0x18: {  	[tilespmem:s12], [sflag:$0x2] =	stream.linear.gather [hbm4b:s14+s4], $0x4000, $0x38;
	[tilespmem:$0x19000] =	vst v63  }
0x19: {  	_ =	swait.ge [sflag:s11], $0x4000  }
0x1a: {  	[sflag:s11] =	ssyncset.done $0x0  }
0x1b: {  	[sflag:s11] =	ssyncadd.s32 $0xFFFFC000  }
0x1c: {  	[tilespmem:s4], [sflag:$0x2] =	stream.linear.gather [hbm4b:s7+s4], $0x1400, $0x38;
	[tilespmem:$0x19000] =	vst v63  }
0x1d: {  	_ =	swait.ge [sflag:s11], $0x1400  }
0x1e: {  	[sflag:s11] =	ssyncset.done $0x0  }
0x1f: {  	[sflag:s11] =	ssyncadd.s32 $0xFFFFEC00  }
0x20: {  	[bflag:$0x0] =	sbarrier.arrive $0xFFFF  }
0x21: {  	[spmem:s3] =	stream.indirect.scatter.add.f32 [tilespmem:s12], [sflag:$0x1], $0x80, s4, s13, $0xb8;
	[tilespmem:$0x19000] =	vst v63  }
0x22: {  	_ = 	snop  }
0x23: {  	[spmem:s3] =	stream.indirect.scatter.add.f32 [tilespmem:s12], [sflag:$0x1], $0x80, s13, s13, $0xb8;
	[tilespmem:$0x19000] =	vst v63  }
0x24: {  	s14 =	simm.s32 $0x100  }
0x25: {  	[spmem:s3] =	stream.indirect.scatter.add.f32 [tilespmem:s12], [sflag:$0x1], $0x80, s14, s13, $0xb8;
	[tilespmem:$0x19000] =	vst v63  }
0x26: {  	s14 =	simm.s32 $0x180  }
0x27: {  	[spmem:s3] =	stream.indirect.scatter.add.f32 [tilespmem:s12], [sflag:$0x1], $0x80, s14, s13, $0xb8;
	[tilespmem:$0x19000] =	vst v63  }
0x28: {  	s14 =	simm.s32 $0x200  }
0x29: {  	[spmem:s3] =	stream.indirect.scatter.add.f32 [tilespmem:s12], [sflag:$0x1], $0x80, s14, s13, $0xb8;
	[tilespmem:$0x19000] =	vst v63  }
0x2a: {  	s14 =	simm.s32 $0x280  }
0x2b: {  	[spmem:s3] =	stream.indirect.scatter.add.f32 [tilespmem:s12], [sflag:$0x1], $0x80, s14, s13, $0xb8;
	[tilespmem:$0x19000] =	vst v63  }
0x2c: {  	s14 =	simm.s32 $0x300  }
0x2d: {  	[spmem:s3] =	stream.indirect.scatter.add.f32 [tilespmem:s12], [sflag:$0x1], $0x80, s14, s13, $0xb8;
	[tilespmem:$0x19000] =	vst v63  }
0x2e: {  	s14 =	simm.s32 $0x380  }
0x2f: {  	[spmem:s3] =	stream.indirect.scatter.add.f32 [tilespmem:s12], [sflag:$0x1], $0x80, s14, s13, $0xb8;
	[tilespmem:$0x19000] =	vst v63  }
0x30: {  	s14 =	simm.s32 $0x400  }
0x31: {  	[spmem:s3] =	stream.indirect.scatter.add.f32 [tilespmem:s12], [sflag:$0x1], $0x80, s14, s13, $0xb8;
	[tilespmem:$0x19000] =	vst v63  }
0x32: {  	s14 =	simm.s32 $0x480  }
0x33: {  	[spmem:s3] =	stream.indirect.scatter.add.f32 [tilespmem:s12], [sflag:$0x1], $0x80, s14, s13, $0xb8;
	[tilespmem:$0x19000] =	vst v63  }
0x34: {  	s14 =	simm.s32 $0x500  }
0x35: {  	[spmem:s3] =	stream.indirect.scatter.add.f32 [tilespmem:s12], [sflag:$0x1], $0x80, s14, s13, $0xb8;
	[tilespmem:$0x19000] =	vst v63  }
0x36: {  	s14 =	simm.s32 $0x580  }
0x37: {  	[spmem:s3] =	stream.indirect.scatter.add.f32 [tilespmem:s12], [sflag:$0x1], $0x80, s14, s13, $0xb8;
	[tilespmem:$0x19000] =	vst v63  }
0x38: {  	s14 =	simm.s32 $0x600  }
0x39: {  	[spmem:s3] =	stream.indirect.scatter.add.f32 [tilespmem:s12], [sflag:$0x1], $0x80, s14, s13, $0xb8;
	[tilespmem:$0x19000] =	vst v63  }
0x3a: {  	s14 =	simm.s32 $0x680  }
0x3b: {  	[spmem:s3] =	stream.indirect.scatter.add.f32 [tilespmem:s12], [sflag:$0x1], $0x80, s14, s13, $0xb8;
	[tilespmem:$0x19000] =	vst v63  }
0x3c: {  	s14 =	simm.s32 $0x700  }
0x3d: {  	[spmem:s3] =	stream.indirect.scatter.add.f32 [tilespmem:s12], [sflag:$0x1], $0x80, s14, s13, $0xb8;
	[tilespmem:$0x19000] =	vst v63  }
0x3e: {  	s14 =	simm.s32 $0x780  }
0x3f: {  	[spmem:s3] =	stream.indirect.scatter.add.f32 [tilespmem:s12], [sflag:$0x1], $0x80, s14, s13, $0xb8;
	[tilespmem:$0x19000] =	vst v63  }
0x40: {  	s14 =	simm.s32 $0x800  }
0x41: {  	[spmem:s3] =	stream.indirect.scatter.add.f32 [tilespmem:s12], [sflag:$0x1], $0x80, s14, s13, $0xb8;
	[tilespmem:$0x19000] =	vst v63  }
0x42: {  	s14 =	simm.s32 $0x880  }
0x43: {  	[spmem:s3] =	stream.indirect.scatter.add.f32 [tilespmem:s12], [sflag:$0x1], $0x80, s14, s13, $0xb8;
	[tilespmem:$0x19000] =	vst v63  }
0x44: {  	s14 =	simm.s32 $0x900  }
0x45: {  	[spmem:s3] =	stream.indirect.scatter.add.f32 [tilespmem:s12], [sflag:$0x1], $0x80, s14, s13, $0xb8;
	[tilespmem:$0x19000] =	vst v63  }
0x46: {  	s14 =	simm.s32 $0x980  }
0x47: {  	[spmem:s3] =	stream.indirect.scatter.add.f32 [tilespmem:s12], [sflag:$0x1], $0x80, s14, s13, $0xb8;
	[tilespmem:$0x19000] =	vst v63  }
0x48: {  	s14 =	simm.s32 $0xA00  }
0x49: {  	[spmem:s3] =	stream.indirect.scatter.add.f32 [tilespmem:s12], [sflag:$0x1], $0x80, s14, s13, $0xb8;
	[tilespmem:$0x19000] =	vst v63  }
0x4a: {  	s14 =	simm.s32 $0xA80  }
0x4b: {  	[spmem:s3] =	stream.indirect.scatter.add.f32 [tilespmem:s12], [sflag:$0x1], $0x80, s14, s13, $0xb8;
	[tilespmem:$0x19000] =	vst v63  }
0x4c: {  	s14 =	simm.s32 $0xB00  }
0x4d: {  	[spmem:s3] =	stream.indirect.scatter.add.f32 [tilespmem:s12], [sflag:$0x1], $0x80, s14, s13, $0xb8;
	[tilespmem:$0x19000] =	vst v63  }
0x4e: {  	_ = 	snop  }
0x4f: {  	[spmem:s3] =	stream.indirect.scatter.add.f32 [tilespmem:s12], [sflag:$0x1], $0x80, s15, s13, $0xb8;
	[tilespmem:$0x19000] =	vst v63  }
0x50: {  	_ = 	snop  }
0x51: {  	[spmem:s3] =	stream.indirect.scatter.add.f32 [tilespmem:s12], [sflag:$0x1], $0x80, s16, s13, $0xb8;
	[tilespmem:$0x19000] =	vst v63  }
0x52: {  	_ = 	snop  }
0x53: {  	[spmem:s3] =	stream.indirect.scatter.add.f32 [tilespmem:s12], [sflag:$0x1], $0x80, s17, s13, $0xb8;
	[tilespmem:$0x19000] =	vst v63  }
0x54: {  	_ = 	snop  }
0x55: {  	[spmem:s3] =	stream.indirect.scatter.add.f32 [tilespmem:s12], [sflag:$0x1], $0x80, s18, s13, $0xb8;
	[tilespmem:$0x19000] =	vst v63  }
0x56: {  	_ = 	snop  }
0x57: {  	[spmem:s3] =	stream.indirect.scatter.add.f32 [tilespmem:s12], [sflag:$0x1], $0x80, s19, s13, $0xb8;
	[tilespmem:$0x19000] =	vst v63  }
0x58: {  	_ = 	snop  }
0x59: {  	[spmem:s3] =	stream.indirect.scatter.add.f32 [tilespmem:s12], [sflag:$0x1], $0x80, s20, s13, $0xb8;
	[tilespmem:$0x19000] =	vst v63  }
0x5a: {  	_ = 	snop  }
0x5b: {  	[spmem:s3] =	stream.indirect.scatter.add.f32 [tilespmem:s12], [sflag:$0x1], $0x80, s21, s13, $0xb8;
	[tilespmem:$0x19000] =	vst v63  }
0x5c: {  	_ = 	snop  }
0x5d: {  	[spmem:s3] =	stream.indirect.scatter.add.f32 [tilespmem:s12], [sflag:$0x1], $0x80, s22, s13, $0xb8;
	[tilespmem:$0x19000] =	vst v63  }
0x5e: {  	_ = 	snop  }
0x5f: {  	[spmem:s3] =	stream.indirect.scatter.add.f32 [tilespmem:s12], [sflag:$0x1], $0x80, s23, s13, $0xb8;
	[tilespmem:$0x19000] =	vst v63  }
0x60: {  	_ = 	snop  }
0x61: {  	[spmem:s3] =	stream.indirect.scatter.add.f32 [tilespmem:s12], [sflag:$0x1], $0x80, s24, s13, $0xb8;
	[tilespmem:$0x19000] =	vst v63  }
0x62: {  	_ = 	snop  }
0x63: {  	[spmem:s3] =	stream.indirect.scatter.add.f32 [tilespmem:s12], [sflag:$0x1], $0x80, s25, s13, $0xb8;
	[tilespmem:$0x19000] =	vst v63  }
0x64: {  	_ = 	snop  }
0x65: {  	[spmem:s3] =	stream.indirect.scatter.add.f32 [tilespmem:s12], [sflag:$0x1], $0x80, s26, s13, $0xb8;
	[tilespmem:$0x19000] =	vst v63  }
0x66: {  	_ = 	snop  }
0x67: {  	[spmem:s3] =	stream.indirect.scatter.add.f32 [tilespmem:s12], [sflag:$0x1], $0x80, s28, s13, $0xb8;
	[tilespmem:$0x19000] =	vst v63  }
0x68: {  	_ = 	snop  }
0x69: {  	[spmem:s3] =	stream.indirect.scatter.add.f32 [tilespmem:s12], [sflag:$0x1], $0x80, s29, s13, $0xb8;
	[tilespmem:$0x19000] =	vst v63  }
0x6a: {  	_ = 	snop  }
0x6b: {  	[spmem:s3] =	stream.indirect.scatter.add.f32 [tilespmem:s12], [sflag:$0x1], $0x80, s30, s13, $0xb8;
	[tilespmem:$0x19000] =	vst v63  }
0x6c: {  	_ = 	snop  }
0x6d: {  	[spmem:s3] =	stream.indirect.scatter.add.f32 [tilespmem:s12], [sflag:$0x1], $0x80, s31, s13, $0xb8;
	[tilespmem:$0x19000] =	vst v63  }
0x6e: {  	_ = 	snop  }
0x6f: {  	[spmem:s3] =	stream.indirect.scatter.add.f32 [tilespmem:s12], [sflag:$0x1], $0x80, s1, s13, $0xb8;
	[tilespmem:$0x19000] =	vst v63  }
0x70: {  	_ =	swait.ge [sflag:s0], $0x4000  }
0x71: {  	s14 =	simm.s32 $0x27;
	[sflag:s0] =	ssyncset.done $0x0  }
.LBB2_2:
0x72: {  	p0 =	sne.s32 s14, $0x1;
	s14 =	sadd.s32 $0xFFFFFFFF, s14;
	[sflag:s0] =	ssyncadd.s32 $0xFFFFC000  }
.Ltmp0:
0x73: {  	(pc) =	sbr.rel @p0 .LBB2_2-.Ltmp0, $3  }
0x74: {  	_ =	sdelay $0x1  }
0x75: {  	_ =	swait.ge [sflag:s0], $0x4000  }
0x76: {  	[sflag:s0] =	ssyncset.done $0x0  }
0x77: {  	s2 =	sadd.s32 $0x1, s2  }
0x78: {  	[sflag:s0] =	ssyncadd.s32 $0xFFFFC000;
	p0 =	sne.s32 s2, s9  }
.Ltmp1:
0x79: {  	[bflag:$0x0] =	sbarrier.arrive $0xFFFF;
	(pc) =	sbr.rel @p0 .LBB2_1-.Ltmp1, $4  }
0x7a: {  	[hbm:s8], [sflag:s6] =	dma.local [spmem:s10], $0x2780  }
0x7b: {  	_ =	swait.ge [sflag:s11], $0x2780  }
0x7c: {  	[sflag:s11] =	ssyncset.done $0x0  }
0x7d: {  	[sflag:s11] =	ssyncadd.s32 $0xFFFFD880  }
0x7e: {  	_ =	sfence.sel $0x180000  }
0x7f: {  	[bflag:$0x0] =	sbarrier.arrive $0xFFFF  }
0x80: {  	_ =	strace $0x90000047  }
0x81: {  	s0 =	stileid.u32;
	[bflag:$0x2] =	sbarrier.arrive $0xFFFF  }
0x82: {  	p0 =	sne.s32 s0, $0x0;
	s0 =	rddreg [dreg:$0x3]  }
0x83: {  	s0 =	sadd.s32 @!p0 $0x100000, s0  }
0x84: {  	[sflag:s0] =	ssyncadd.tile.s32 @!p0 $0x1;
	_ =	shalt  }
.Lfunc_end2:
_tile_overlayer_lowered:
.L_overlay_start_2:
0x85: {  	(tag) =	ssettag $0x2  }
0x86: {  	s0 =	rddreg [dreg:$0x0];
	s2 =	stileid.u32  }
0x87: {  	s1 =	rddreg [dreg:$0x1];
	p0 =	sne.s32 s2, $0x0  }
0x88: {  	s3 =	rddreg [dreg:$0x2];
	[bflag:$0x3] =	sbarrier.arrive $0xFFFF;
	s2 =	simm.s32 @!p0 $0x1C02  }
0x89: {  	[timem:s3], [sflag:s2] =	dma.local @!p0 [hbm:s0], s1  }
0x8a: {  	s0 =	simm.s32 @!p0 $0x2  }
0x8b: {  	_ =	swait.ge @!p0 [sflag:s0], s1  }
0x8c: {  	s1 =	ssub.s32 @!p0 $0x0, s1;
	[sflag:s0] =	ssyncset.done @!p0 $0x0  }
0x8d: {  	[sflag:s0] =	ssyncadd.s32 @!p0 s1  }
0x8e: {  	[bflag:$0x3] =	sbarrier.arrive $0xFFFF  }
0x8f: {  	_ =	shalt  }

// kernel: kernel.9.cloned.1.call-start
scs
__scs_entry_jumppad:
0x0: {  	(pc) =	sbr.rel $0x88, $3  }
0x1: {  	(tag) =	ssettag $0x0;
	lr =	simm.s32 $0x1  }
0x2: {  	[smem:$0x3F99] =	sst lr;
	_ =	strace $0xD0000000  }
0x3: {  	_ = 	snop  }
0x4: {  	_ = 	snop  }
0x5: {  	_ = 	snop  }
0x6: {  	_ = 	snop  }
0x7: {  	_ = 	snop  }
__scs_overlays_trampoline_lowered:
0x8: {  	[smem:$0x3FA8] =	sst s0  }
0x9: {  	[smem:$0x3FA9] =	sst s1  }
0xa: {  	[smem:$0x3FAA] =	sst s2  }
0xb: {  	[smem:$0x3FAB] =	sst s3  }
0xc: {  	[smem:$0x3FAC] =	sst s4  }
0xd: {  	[smem:$0x3FAD] =	sst s5  }
0xe: {  	[smem:$0x3FAE] =	sst s6  }
0xf: {  	[smem:$0x3FAF] =	sst s7  }
0x10: {  	[smem:$0x3FB0] =	sst s8  }
0x11: {  	[smem:$0x3FB1] =	sst s9;
	s0 =	simm.s32 @!p0 $0x0  }
0x12: {  	s1 =	sld [smem:$0x3F97];
	s0 =	simm.s32 @p0 $0x1  }
0x13: {  	[smem:$0x3FB2] =	sst s0;
	s0 =	simm.s32 @!p1 $0x0  }
0x14: {  	s2 =	sld [smem:$0x3F96];
	s0 =	simm.s32 @p1 $0x1  }
0x15: {  	[smem:$0x3FB3] =	sst s0;
	s0 =	simm.s32 @!p2 $0x0  }
0x16: {  	s3 =	sld [smem:$0x3FDB];
	s0 =	simm.s32 @p2 $0x1  }
0x17: {  	s4 =	simm.s32 $0x1BF5;
	[smem:$0x3FB5] =	sst s0  }
0x18: {  	s0 =	sld [smem:$0x3F98];
	_ =	swait.ge [sflag:s4], $0x0  }
0x19: {  	s7 =	sld [smem:$0x3F99]  }
0x1a: {  	s8 =	sadd.s32 $0xFFFFE003, lr  }
0x1b: {  	s9 =	sadd.s32 $0xFFFFFEF7, lr;
	s5 =	simm.s32 $0xFFFFFFFF;
	p2 =	slt.u32 s8, $0xFFFFF086  }
0x1c: {  	p1 =	slt.u32 s9, $0xF7A;
	s5 =	simm.s32 @!p2 $0x0  }
0x1d: {  	s5 =	simm.s32 @p1 $0x1;
	p0 =	seq.s32 s7, s2  }
0x1e: {  	s7 =	smul.u32 @!p0 $0xF7A, s2;
	p2 =	seq.s32 @!p0 s5, $0x0  }
0x1f: {  	s9 =	smul.u32 $0xF7A, s1;
	s8 =	simm.s32 @!p0 $0x1BF5;
	p2 =	por !p2, p0  }
0x20: {  	[sflag:s8] =	ssyncset.s32 @!p0 $0xFFFFF086;
	s6 =	sadd.s32 @!p0 s3, s7;
	s7 =	simm.s32 @!p0 $0x108  }
0x21: {  	s3 =	sadd.s32 s3, s9;
	s6 =	sadd.s32 @!p0 $0x88, s6;
	s7 =	simm.s32 @p2 $0x1082  }
0x22: {  	[simem:s7], [sflag:s8] =	dma.local @!p0 [hbm:s6], $0xF7A  }
0x23: {  	s9 =	sor.u32 $0xD0000000, s2;
	s6 =	simm.s32 $0x108;
	_ =	swait.ge @!p0 [sflag:s8], $0x0  }
0x24: {  	s3 =	sadd.s32 $0x88, s3;
	s6 =	simm.s32 @!p1 $0x1082;
	[sflag:s4] =	ssyncset.s32 $0xFFFFF086  }
0x25: {  	[simem:s6], [sflag:s4] =	dma.local [hbm:s3], $0xF7A  }
0x26: {  	[smem:$0x3F99] =	sst s1;
	(tag) =	ssettag s2;
	_ =	strace s9  }
0x27: {  	s1 =	sld [smem:$0x3FA9]  }
0x28: {  	s2 =	sld [smem:$0x3FAA]  }
0x29: {  	s4 =	sld [smem:$0x3FAC]  }
0x2a: {  	p0 =	seq.s32 s5, $0x0;
	s5 =	sld [smem:$0x3FAD]  }
0x2b: {  	s6 =	sld [smem:$0x3FAE]  }
0x2c: {  	s7 =	sld [smem:$0x3FAF]  }
0x2d: {  	s3 =	simm.s32 $0x108;
	s8 =	sld [smem:$0x3FB0]  }
0x2e: {  	s3 =	simm.s32 @!p0 $0x1082;
	s9 =	sld [smem:$0x3FB1]  }
0x2f: {  	lr =	sadd.s32 s0, s3;
	s0 =	sld [smem:$0x3FA8]  }
0x30: {  	s3 =	sld [smem:$0x3FAB]  }
0x31: {  	[smem:$0x3FB4] =	sst s10  }
0x32: {  	s10 =	sld [smem:$0x3FB2];
	_ =	sdelay $0x3  }
0x33: {  	p0 =	seq.s32 s10, $0x1;
	s10 =	sld [smem:$0x3FB4];
	_ =	sdelay $0x3  }
0x34: {  	[smem:$0x3FB4] =	sst s10  }
0x35: {  	s10 =	sld [smem:$0x3FB3];
	_ =	sdelay $0x3  }
0x36: {  	p1 =	seq.s32 s10, $0x1;
	s10 =	sld [smem:$0x3FB4];
	_ =	sdelay $0x3  }
0x37: {  	[smem:$0x3FB4] =	sst s10  }
0x38: {  	s10 =	sld [smem:$0x3FB5]  }
0x39: {  	_ = 	snop;
	(pc) =	sbr.ind lr, $3  }
0x3a: {  	_ = 	snop  }
0x3b: {  	_ = 	snop  }
0x3c: {  	p2 =	seq.s32 s10, $0x1;
	s10 =	sld [smem:$0x3FB4]  }
0x3d: {  	_ =	shalt  }
0x3e: {  	_ =	shalt  }
0x3f: {  	_ =	shalt  }
0x40: {  	_ =	shalt  }
0x41: {  	_ =	shalt  }
0x42: {  	_ =	shalt  }
0x43: {  	_ =	shalt  }
0x44: {  	_ =	shalt  }
0x45: {  	_ =	shalt  }
0x46: {  	_ =	shalt  }
0x47: {  	_ =	shalt  }
0x48: {  	_ =	shalt  }
0x49: {  	_ =	shalt  }
0x4a: {  	_ =	shalt  }
0x4b: {  	_ =	shalt  }
0x4c: {  	_ =	shalt  }
0x4d: {  	_ =	shalt  }
0x4e: {  	_ =	shalt  }
0x4f: {  	_ =	shalt  }
0x50: {  	_ =	shalt  }
0x51: {  	_ =	shalt  }
0x52: {  	_ =	shalt  }
0x53: {  	_ =	shalt  }
0x54: {  	_ =	shalt  }
0x55: {  	_ =	shalt  }
0x56: {  	_ =	shalt  }
0x57: {  	_ =	shalt  }
0x58: {  	_ =	shalt  }
0x59: {  	_ =	shalt  }
0x5a: {  	_ =	shalt  }
0x5b: {  	_ =	shalt  }
0x5c: {  	_ =	shalt  }
0x5d: {  	_ =	shalt  }
0x5e: {  	_ =	shalt  }
0x5f: {  	_ =	shalt  }
0x60: {  	_ =	shalt  }
0x61: {  	_ =	shalt  }
0x62: {  	_ =	shalt  }
0x63: {  	_ =	shalt  }
0x64: {  	_ =	shalt  }
0x65: {  	_ =	shalt  }
0x66: {  	_ =	shalt  }
0x67: {  	_ =	shalt  }
0x68: {  	_ =	shalt  }
0x69: {  	_ =	shalt  }
0x6a: {  	_ =	shalt  }
0x6b: {  	_ =	shalt  }
0x6c: {  	_ =	shalt  }
0x6d: {  	_ =	shalt  }
0x6e: {  	_ =	shalt  }
0x6f: {  	_ =	shalt  }
0x70: {  	_ =	shalt  }
0x71: {  	_ =	shalt  }
0x72: {  	_ =	shalt  }
0x73: {  	_ =	shalt  }
0x74: {  	_ =	shalt  }
0x75: {  	_ =	shalt  }
0x76: {  	_ =	shalt  }
0x77: {  	_ =	shalt  }
0x78: {  	_ =	shalt  }
0x79: {  	_ =	shalt  }
0x7a: {  	_ =	shalt  }
0x7b: {  	_ =	shalt  }
0x7c: {  	_ =	shalt  }
0x7d: {  	_ =	shalt  }
0x7e: {  	_ =	shalt  }
0x7f: {  	_ =	shalt  }
0x80: {  	_ =	shalt  }
0x81: {  	_ =	shalt  }
0x82: {  	_ =	shalt  }
0x83: {  	_ =	shalt  }
0x84: {  	_ =	shalt  }
0x85: {  	_ =	shalt  }
0x86: {  	_ =	shalt  }
0x87: {  	_ =	shalt  }
.Lfunc_end0:
.L_simem_size_0:
called_computation.1_lowered:
.L_overlay_start_0:
0x88: {  	s2 =	sld [smem:$0x3FD9]  }
0x89: {  	s3 =	sld [smem:$0x3FFE];
	_ =	sdelay $0x1  }
0x8a: {  	s1 =	srdreg.scid  }
0x8b: {  	s0 =	sand.u32 $0x1, s1  }
0x8c: {  	s17 =	sshll.u32 s0, $0xA;
	s2 =	sadd.s32 s3, s2  }
0x8d: {  	s2 =	sadd.s32 s2, s17  }
0x8e: {  	[smem:$0x3FC0] =	sst s2  }
0x8f: {  	_ = 	snop  }
0x90: {  	s2 =	sld [smem:$0x3FD0];
	(tm) =	ssettm $0x1  }
0x91: {  	s18 =	sld [smem:$0x3FFB];
	_ =	sdelay $0x3  }
0x92: {  	_ =	strace s18  }
0x93: {  	s3 =	sld [smem:$0x3FFC];
	_ =	sdelay $0x3  }
0x94: {  	_ =	strace s3  }
0x95: {  	s3 =	sld [smem:$0x3FFD];
	_ =	sdelay $0x3  }
0x96: {  	_ =	strace s3  }
0x97: {  	_ =	strace $0x8FFFFFFF  }
0x98: {  	s19 =	sld [smem:$0x3FDB];
	_ =	sdelay $0x1  }
0x99: {  	s4 =	simm.s32 $_scs_section_size  }
0x9a: {  	s5 =	simm.s32 $_size__tile_overlayer_lowered;
	s6 =	simm.s32 $_tile_overlayer_lowered  }
0x9b: {  	s22 =	simm.s32 $0x1BFF;
	s21 =	sshll.u32 s6, $0x1;
	s3 =	sadd.s32 s4, s19  }
0x9c: {  	s7 =	simm.s32 $0x0;
	s20 =	sshll.u32 s5, $0x1;
	s5 =	sadd.s32 s21, s3  }
0x9d: {  	[timem:s7], [sflag:s22] =	dma.local [hbm:s5], s20  }
0x9e: {  	_ =	swait.ge [sflag:s22], s20  }
0x9f: {  	s4 =	ssub.s32 $0x0, s20;
	[sflag:s22] =	ssyncset.done $0x0  }
0xa0: {  	[sflag:s22] =	ssyncadd.s32 s4;
	_ =	sdelay $0x1  }
0xa1: {  	s23 =	simm.s32 $0x1B8B  }
0xa2: {  	_ =	swait.ge [sflag:s23], $0x1  }
0xa3: {  	[sflag:s23] =	ssyncset.done $0x0  }
0xa4: {  	s25 =	simm.s32 $0x1B8E;
	s24 =	sld [smem:$0x3FFE];
	[sflag:s23] =	ssyncadd.s32 $0xFFFFFFFF  }
0xa5: {  	s26 =	simm.s32 $execute0_lowered;
	[smem:$0x3FD2] =	sst s25  }
0xa6: {  	s5 =	sshll.u32 s26, $0x1;
	_ =	strace $0x80000049;
	[dreg:$0x1] =	wrdreg $0xFFFFFFFF  }
0xa7: {  	s28 =	simm.s32 $_size_execute0_lowered;
	s3 =	sadd.s32 s3, s5;
	[dreg:$0x0] =	wrdreg $0x0  }
0xa8: {  	s5 =	sshll.u32 s28, $0x1;
	[dreg:$0x2] =	wrdreg s3  }
0xa9: {  	[dreg:$0x3] =	wrdreg s5  }
0xaa: {  	[dreg:$0x4] =	wrdreg $0xC0  }
0xab: {  	_ =	task [dreg:s7], $0x5FFFF  }
0xac: {  	[dreg:$0x1] =	wrdreg $0xFFFFFFFF  }
0xad: {  	[dreg:$0x0] =	wrdreg $0x60  }
0xae: {  	[dreg:$0x2] =	wrdreg s2  }
0xaf: {  	[dreg:$0x3] =	wrdreg s24  }
0xb0: {  	[dreg:$0x4] =	wrdreg $0xA8000  }
0xb1: {  	[dreg:$0x5] =	wrdreg $0x9  }
0xb2: {  	_ =	task.clear_ibuf [dreg:s7], $0x6FFFF;
	_ =	strace $0x90000049  }
0xb3: {  	s29 =	simm.s32 $0x9;
	_ =	strace $0x8000004B  }
0xb4: {  	_ =	swait.ge [sflag:s29], $0x1  }
0xb5: {  	[sflag:s29] =	ssyncadd.s32 $0xFFFFFFFF  }
0xb6: {  	_ =	strace $0x9000004B  }
0xb7: {  	_ =	sfence  }
0xb8: {  	s30 =	sld [smem:$0x0];
	_ =	sdelay $0x2  }
0xb9: {  	s31 =	sshll.u32 s1, $0xD;
	s1 =	sshrl.u32 s1, $0x2  }
0xba: {  	s3 =	sand.u32 $0x4000, s31;
	s1 =	sadd.s32 s1, s30  }
0xbb: {  	s0 =	sor.u32 s3, s0;
	s1 =	sshll.u32 s1, $0x11  }
0xbc: {  	s0 =	sor.u32 s1, s0  }
0xbd: {  	s0 =	sadd.s32 $0x8F2B, s0  }
0xbe: {  	[sflag:s0] =	ssyncadd.remote.s32 $0x1  }
0xbf: {  	_ =	sfence.sel $0xFFFF  }
0xc0: {  	[dreg:$0x0] =	wrdreg $0xFFFFFFFF;
	(pc) =	sbr.abs _section_cstart, $3  }
0xc1: {  	[dreg:$0x1] =	wrdreg $0xFFFFFFFF  }
0xc2: {  	_ =	task.clear_ibuf [dreg:s7], $0x2FFFF;
	_ =	strace $0x9FFFFFFF  }
0xc3: {  	(tm) =	ssettm $0x7FFFFFFF  }
tec
execute0_lowered:
.L_overlay_start_1:
0x0: {  	(tag) =	ssettag $0x1  }
0x1: {  	s1 =	rddreg [dreg:$0x0]  }
0x2: {  	s0 =	srdreg.scid;
	s2 =	rddreg [dreg:$0x1]  }
0x3: {  	s10 =	stileid.u32;
	s3 =	rddreg [dreg:$0x2];
	s4 =	simm.s32 $0x0  }
0x4: {  	s14 =	simm.s32 $0x2;
	s16 =	simm.s32 $0x20;
	s17 =	simm.s32 $0x2800  }
0x5: {  	s18 =	simm.s32 $0x3800;
	s19 =	simm.s32 $0x40;
	s6 =	smul.u32 $0x2800, s10  }
0x6: {  	s28 =	simm.s32 $0x9800;
	s29 =	simm.s32 $0x80;
	s8 =	smul.u32 $0x13C00, s10  }
0x7: {  	s30 =	simm.s32 $0x1380;
	s0 =	sand.u32 $0x1, s0;
	s21 =	smul.u32 $0x4F000, s10  }
0x8: {  	s31 =	simm.s32 $0x13A0;
	[smem:$0x7FF] =	sst s4;
	s5 =	smul.u32 $0x28000, s0  }
0x9: {  	s22 =	sadd.s32 $0x7400, s2;
	s24 =	sshll.u32 s10, $0x6;
	s7 =	smul.u32 $0x13C000, s0  }
0xa: {  	_ =	strace $0x8000004A;
	[dreg:$0x4] =	wrdreg s22;
	s0 =	ssub.s32 $0x2, s0  }
0xb: {  	s22 =	simm.s32 $0x5800;
	s23 =	sshrl.u32 s0, $0x1;
	s5 =	sadd.s32 s5, s6  }
0xc: {  	s6 =	sshrl.u32 s6, $0x3;
	s20 =	sadd.s32 s8, s7;
	s7 =	sshrl.u32 s21, $0x2  }
0xd: {  	s0 =	ssub.s32 s0, s23;
	s21 =	simm.s32 $0x60;
	s23 =	simm.s32 $0x1  }
0xe: {  	s8 =	simm.s32 $0x0;
	s5 =	sshrl.u32 s5, $0x3;
	s9 =	sadd.s32 s6, s2  }
0xf: {  	s6 =	sshrl.u32 s20, $0x3;
	s7 =	sadd.s32 s7, s3;
	s0 =	smax.u32 s0, $0x1  }
0x10: {  	s20 =	simm.s32 $0x4800;
	s5 =	sadd.s32 s5, s2;
	s2 =	sadd.s32 s6, s2  }
0x11: {  	s6 =	sor.u32 $0x1C02, s24;
	[dreg:$0x6] =	wrdreg s0;
	s26 =	sadd.s32 $0x2400, s9  }
0x12: {  	s12 =	sadd.s32 $0x2680, s9;
	s13 =	sshrl.u32 s7, $0x3;
	s24 =	simm.s32 $0x6800  }
0x13: {  	s0 =	simm.s32 $0x13E0;
	s7 =	simm.s32 $0x2780;
	s2 =	sadd.s32 $0x62C00, s2  }
0x14: {  	s25 =	sadd.s32 $0x58C00, s5;
	[dreg:$0x8] =	wrdreg s26;
	s11 =	sadd.s32 $0x58E80, s5  }
0x15: {  	s26 =	simm.s32 $0x8800;
	s5 =	simm.s32 $0x2700;
	[dreg:$0x5] =	wrdreg s2  }
0x16: {  	[dreg:$0x7] =	wrdreg s25;
	s25 =	simm.s32 $0x7800;
	s2 =	simm.s32 $0x13C0  }
.LBB2_1:
0x17: {  	s9 =	rddreg [dreg:$0x4]  }
0x18: {  	[spmem:s13], [sflag:s6] =	dma.local [hbm:s9], $0x2780  }
0x19: {  	_ =	swait.ge [sflag:s14], $0x2780  }
0x1a: {  	[sflag:s14] =	ssyncset.done $0x0  }
0x1b: {  	[sflag:s14] =	ssyncadd.s32 $0xFFFFD880  }
0x1c: {  	[bflag:$0x0] =	sbarrier.arrive $0xFFFF  }
0x1d: {  	s10 =	rddreg [dreg:$0x7]  }
0x1e: {  	[tilespmem:s4], [sflag:$0x2] =	stream.linear.gather [hbm4b:s10+s4], $0x1400, $0x38;
	[tilespmem:$0x1E400] =	vst v63  }
0x1f: {  	_ =	swait.ge [sflag:s14], $0x1400  }
0x20: {  	[sflag:s14] =	ssyncset.done $0x0  }
0x21: {  	s10 =	simm.s32 $0x1400;
	s15 =	rddreg [dreg:$0x8];
	[sflag:s14] =	ssyncadd.s32 $0xFFFFEC00  }
0x22: {  	[tilespmem:s10], [sflag:$0x2] =	stream.linear.gather [hbm4b:s15+s4], $0x1400, $0x38;
	[tilespmem:$0x1E400] =	vst v63  }
0x23: {  	_ =	swait.ge [sflag:s14], $0x1400  }
0x24: {  	[sflag:s14] =	ssyncset.done $0x0  }
0x25: {  	[sflag:s14] =	ssyncadd.s32 $0xFFFFEC00  }
0x26: {  	[tilespmem:s17], [sflag:$0x1] =	stream.indirect.gather [hbm4b:s1+s16], $0x80, s4, s16, $0xb8;
	[tilespmem:$0x1E400] =	vst v63  }
0x27: {  	_ = 	snop  }
0x28: {  	[tilespmem:s18], [sflag:$0x1] =	stream.indirect.gather [hbm4b:s1+s16], $0x80, s16, s16, $0xb8;
	[tilespmem:$0x1E400] =	vst v63  }
0x29: {  	_ = 	snop  }
0x2a: {  	[tilespmem:s20], [sflag:$0x1] =	stream.indirect.gather [hbm4b:s1+s16], $0x80, s19, s16, $0xb8;
	[tilespmem:$0x1E400] =	vst v63  }
0x2b: {  	_ = 	snop  }
0x2c: {  	[tilespmem:s22], [sflag:$0x1] =	stream.indirect.gather [hbm4b:s1+s16], $0x80, s21, s16, $0xb8;
	[tilespmem:$0x1E400] =	vst v63  }
0x2d: {  	_ =	swait.ge [sflag:s23], $0x4000  }
0x2e: {  	[sflag:s23] =	ssyncset.done $0x0  }
0x2f: {  	s10 =	simm.s32 $0x80;
	[sflag:s23] =	ssyncadd.s32 $0xFFFFC000  }
0x30: {  	[tilespmem:s24], [sflag:$0x1] =	stream.indirect.gather [hbm4b:s1+s16], $0x80, s10, s16, $0xb8;
	[tilespmem:$0x1E400] =	vst v63  }
0x31: {  	s15 =	simm.s32 $0xA0  }
0x32: {  	[tilespmem:s25], [sflag:$0x1] =	stream.indirect.gather [hbm4b:s1+s16], $0x80, s15, s16, $0xb8;
	[tilespmem:$0x1E400] =	vst v63  }
0x33: {  	s10 =	simm.s32 $0xC0  }
0x34: {  	[tilespmem:s26], [sflag:$0x1] =	stream.indirect.gather [hbm4b:s1+s16], $0x80, s10, s16, $0xb8;
	[tilespmem:$0x1E400] =	vst v63  }
0x35: {  	s15 =	simm.s32 $0xE0  }
0x36: {  	[tilespmem:s28], [sflag:$0x1] =	stream.indirect.gather [hbm4b:s1+s16], $0x80, s15, s16, $0xb8;
	[tilespmem:$0x1E400] =	vst v63  }
0x37: {  	s10 =	simm.s32 $0x1400  }
0x38: {  	[spmem:s3] =	stream.indirect.scatter.add.f32 [tilespmem:s17], [sflag:$0x2], $0x80, s10, s29, $0xb8;
	[tilespmem:$0x1E400] =	vst v63  }
0x39: {  	_ =	swait.ge [sflag:s14], $0x4000  }
0x3a: {  	[sflag:s14] =	ssyncset.done $0x0  }
0x3b: {  	[sflag:s14] =	ssyncadd.s32 $0xFFFFC000  }
0x3c: {  	_ =	swait.ge [sflag:s23], $0x4000  }
0x3d: {  	[sflag:s23] =	ssyncset.done $0x0  }
0x3e: {  	s15 =	simm.s32 $0x100;
	[sflag:s23] =	ssyncadd.s32 $0xFFFFC000  }
0x3f: {  	[tilespmem:s17], [sflag:$0x1] =	stream.indirect.gather [hbm4b:s1+s16], $0x80, s15, s16, $0xb8;
	[tilespmem:$0x1E400] =	vst v63  }
0x40: {  	s10 =	simm.s32 $0x120  }
0x41: {  	[tilespmem:s18], [sflag:$0x1] =	stream.indirect.gather [hbm4b:s1+s16], $0x80, s10, s16, $0xb8;
	[tilespmem:$0x1E400] =	vst v63  }
0x42: {  	s15 =	simm.s32 $0x140  }
0x43: {  	[tilespmem:s20], [sflag:$0x1] =	stream.indirect.gather [hbm4b:s1+s16], $0x80, s15, s16, $0xb8;
	[tilespmem:$0x1E400] =	vst v63  }
0x44: {  	s10 =	simm.s32 $0x160  }
0x45: {  	[tilespmem:s22], [sflag:$0x1] =	stream.indirect.gather [hbm4b:s1+s16], $0x80, s10, s16, $0xb8;
	[tilespmem:$0x1E400] =	vst v63  }
0x46: {  	s15 =	simm.s32 $0x1480  }
0x47: {  	[spmem:s3] =	stream.indirect.scatter.add.f32 [tilespmem:s24], [sflag:$0x2], $0x80, s15, s29, $0xb8;
	[tilespmem:$0x1E400] =	vst v63  }
0x48: {  	_ =	swait.ge [sflag:s14], $0x4000  }
0x49: {  	s9 =	simm.s32 $0x400;
	[sflag:s14] =	ssyncset.done $0x0  }
.LBB2_2:
0x4a: {  	p0 =	sne.s32 s9, $0x4800  }
0x4b: {  	[sflag:s14] =	ssyncadd.s32 $0xFFFFC000;
	s15 =	smov.u32 s9;
	s9 =	sadd.s32 $0x400, s9  }
0x4c: {  	_ = 	snop  }
0x4d: {  	_ =	swait.ge [sflag:s23], $0x4000  }
0x4e: {  	s15 =	sshra.s32 s15, $0x2;
	[sflag:s23] =	ssyncset.done $0x0  }
0x4f: {  	s10 =	sadd.s32 $0x80, s15;
	[sflag:s23] =	ssyncadd.s32 $0xFFFFC000  }
0x50: {  	[tilespmem:s24], [sflag:$0x1] =	stream.indirect.gather [hbm4b:s1+s16], $0x80, s10, s16, $0xb8;
	[tilespmem:$0x1E400] =	vst v63  }
0x51: {  	s10 =	sadd.s32 $0xA0, s15  }
0x52: {  	[tilespmem:s25], [sflag:$0x1] =	stream.indirect.gather [hbm4b:s1+s16], $0x80, s10, s16, $0xb8;
	[tilespmem:$0x1E400] =	vst v63  }
0x53: {  	s10 =	sadd.s32 $0xC0, s15  }
0x54: {  	[tilespmem:s26], [sflag:$0x1] =	stream.indirect.gather [hbm4b:s1+s16], $0x80, s10, s16, $0xb8;
	[tilespmem:$0x1E400] =	vst v63  }
0x55: {  	s10 =	sadd.s32 $0xE0, s15  }
0x56: {  	[tilespmem:s28], [sflag:$0x1] =	stream.indirect.gather [hbm4b:s1+s16], $0x80, s10, s16, $0xb8;
	[tilespmem:$0x1E400] =	vst v63  }
0x57: {  	s10 =	sadd.s32 $0x1400, s15  }
0x58: {  	[spmem:s3] =	stream.indirect.scatter.add.f32 [tilespmem:s17], [sflag:$0x2], $0x80, s10, s29, $0xb8;
	[tilespmem:$0x1E400] =	vst v63  }
0x59: {  	_ =	swait.ge [sflag:s14], $0x4000  }
0x5a: {  	[sflag:s14] =	ssyncset.done $0x0  }
0x5b: {  	[sflag:s14] =	ssyncadd.s32 $0xFFFFC000  }
0x5c: {  	_ =	swait.ge [sflag:s23], $0x4000  }
0x5d: {  	[sflag:s23] =	ssyncset.done $0x0  }
0x5e: {  	s10 =	sadd.s32 $0x100, s15;
	[sflag:s23] =	ssyncadd.s32 $0xFFFFC000  }
0x5f: {  	[tilespmem:s17], [sflag:$0x1] =	stream.indirect.gather [hbm4b:s1+s16], $0x80, s10, s16, $0xb8;
	[tilespmem:$0x1E400] =	vst v63  }
0x60: {  	s10 =	sadd.s32 $0x120, s15  }
0x61: {  	[tilespmem:s18], [sflag:$0x1] =	stream.indirect.gather [hbm4b:s1+s16], $0x80, s10, s16, $0xb8;
	[tilespmem:$0x1E400] =	vst v63  }
0x62: {  	s10 =	sadd.s32 $0x140, s15  }
0x63: {  	[tilespmem:s20], [sflag:$0x1] =	stream.indirect.gather [hbm4b:s1+s16], $0x80, s10, s16, $0xb8;
	[tilespmem:$0x1E400] =	vst v63  }
0x64: {  	s10 =	sadd.s32 $0x160, s15  }
0x65: {  	[tilespmem:s22], [sflag:$0x1] =	stream.indirect.gather [hbm4b:s1+s16], $0x80, s10, s16, $0xb8;
	[tilespmem:$0x1E400] =	vst v63  }
.Ltmp0:
0x66: {  	_ = 	snop;
	(pc) =	sbr.rel @p0 .LBB2_2-.Ltmp0, $4  }
0x67: {  	s10 =	sadd.s32 $0x1480, s15  }
0x68: {  	[spmem:s3] =	stream.indirect.scatter.add.f32 [tilespmem:s24], [sflag:$0x2], $0x80, s10, s29, $0xb8;
	[tilespmem:$0x1E400] =	vst v63  }
0x69: {  	_ =	swait.ge [sflag:s14], $0x4000  }
0x6a: {  	[sflag:s14] =	ssyncset.done $0x0  }
0x6b: {  	[sflag:s14] =	ssyncadd.s32 $0xFFFFC000  }
0x6c: {  	_ =	swait.ge [sflag:s23], $0x4000  }
0x6d: {  	[sflag:s23] =	ssyncset.done $0x0  }
0x6e: {  	[sflag:s23] =	ssyncadd.s32 $0xFFFFC000  }
0x6f: {  	[tilespmem:s24], [sflag:$0x1] =	stream.indirect.gather [hbm4b:s1+s16], $0x80, s30, s16, $0xb8;
	[tilespmem:$0x1E400] =	vst v63  }
0x70: {  	_ = 	snop  }
0x71: {  	[tilespmem:s25], [sflag:$0x1] =	stream.indirect.gather [hbm4b:s1+s16], $0x80, s31, s16, $0xb8;
	[tilespmem:$0x1E400] =	vst v63  }
0x72: {  	_ = 	snop  }
0x73: {  	[tilespmem:s26], [sflag:$0x1] =	stream.indirect.gather [hbm4b:s1+s16], $0x80, s2, s16, $0xb8;
	[tilespmem:$0x1E400] =	vst v63  }
0x74: {  	_ = 	snop  }
0x75: {  	[tilespmem:s28], [sflag:$0x1] =	stream.indirect.gather [hbm4b:s1+s16], $0x80, s0, s16, $0xb8;
	[tilespmem:$0x1E400] =	vst v63  }
0x76: {  	_ = 	snop  }
0x77: {  	[spmem:s3] =	stream.indirect.scatter.add.f32 [tilespmem:s17], [sflag:$0x2], $0x80, s5, s29, $0xb8;
	[tilespmem:$0x1E400] =	vst v63  }
0x78: {  	_ =	swait.ge [sflag:s14], $0x4000  }
0x79: {  	[sflag:s14] =	ssyncset.done $0x0  }
0x7a: {  	[sflag:s14] =	ssyncadd.s32 $0xFFFFC000  }
0x7b: {  	_ =	swait.ge [sflag:s23], $0x4000  }
0x7c: {  	[sflag:s23] =	ssyncset.done $0x0  }
0x7d: {  	[sflag:s23] =	ssyncadd.s32 $0xFFFFC000  }
0x7e: {  	[spmem:s3] =	stream.indirect.scatter.add.f32 [tilespmem:s24], [sflag:$0x2], $0x80, s7, s29, $0xb8;
	[tilespmem:$0x1E400] =	vst v63  }
0x7f: {  	_ =	swait.ge [sflag:s14], $0x4000  }
0x80: {  	[sflag:s14] =	ssyncset.done $0x0  }
0x81: {  	s9 =	simm.s32 $0x0;
	[sflag:s14] =	ssyncadd.s32 $0xFFFFC000  }
0x82: {  	[tilespmem:s9], [sflag:$0x2] =	stream.linear.gather [hbm4b:s11+s9], $0x1400, $0x38;
	[tilespmem:$0x1E400] =	vst v63  }
0x83: {  	_ =	swait.ge [sflag:s14], $0x1400  }
0x84: {  	[sflag:s14] =	ssyncset.done $0x0  }
0x85: {  	s10 =	simm.s32 $0x1400;
	[sflag:s14] =	ssyncadd.s32 $0xFFFFEC00  }
0x86: {  	[tilespmem:s10], [sflag:$0x2] =	stream.linear.gather [hbm4b:s12+s9], $0x1400, $0x38;
	[tilespmem:$0x1E400] =	vst v63  }
0x87: {  	_ =	swait.ge [sflag:s14], $0x1400  }
0x88: {  	[sflag:s14] =	ssyncset.done $0x0  }
0x89: {  	[sflag:s14] =	ssyncadd.s32 $0xFFFFEC00  }
0x8a: {  	[tilespmem:s17], [sflag:$0x1] =	stream.indirect.gather [hbm4b:s1+s16], $0x80, s9, s16, $0xb8;
	[tilespmem:$0x1E400] =	vst v63  }
0x8b: {  	_ = 	snop  }
0x8c: {  	[tilespmem:s18], [sflag:$0x1] =	stream.indirect.gather [hbm4b:s1+s16], $0x80, s16, s16, $0xb8;
	[tilespmem:$0x1E400] =	vst v63  }
0x8d: {  	_ = 	snop  }
0x8e: {  	[tilespmem:s20], [sflag:$0x1] =	stream.indirect.gather [hbm4b:s1+s16], $0x80, s19, s16, $0xb8;
	[tilespmem:$0x1E400] =	vst v63  }
0x8f: {  	_ = 	snop  }
0x90: {  	[tilespmem:s22], [sflag:$0x1] =	stream.indirect.gather [hbm4b:s1+s16], $0x80, s21, s16, $0xb8;
	[tilespmem:$0x1E400] =	vst v63  }
0x91: {  	_ =	swait.ge [sflag:s23], $0x4000  }
0x92: {  	[sflag:s23] =	ssyncset.done $0x0  }
0x93: {  	s10 =	simm.s32 $0x80;
	[sflag:s23] =	ssyncadd.s32 $0xFFFFC000  }
0x94: {  	[tilespmem:s24], [sflag:$0x1] =	stream.indirect.gather [hbm4b:s1+s16], $0x80, s10, s16, $0xb8;
	[tilespmem:$0x1E400] =	vst v63  }
0x95: {  	s15 =	simm.s32 $0xA0  }
0x96: {  	[tilespmem:s25], [sflag:$0x1] =	stream.indirect.gather [hbm4b:s1+s16], $0x80, s15, s16, $0xb8;
	[tilespmem:$0x1E400] =	vst v63  }
0x97: {  	s10 =	simm.s32 $0xC0  }
0x98: {  	[tilespmem:s26], [sflag:$0x1] =	stream.indirect.gather [hbm4b:s1+s16], $0x80, s10, s16, $0xb8;
	[tilespmem:$0x1E400] =	vst v63  }
0x99: {  	s15 =	simm.s32 $0xE0  }
0x9a: {  	[tilespmem:s28], [sflag:$0x1] =	stream.indirect.gather [hbm4b:s1+s16], $0x80, s15, s16, $0xb8;
	[tilespmem:$0x1E400] =	vst v63  }
0x9b: {  	s10 =	simm.s32 $0x1400  }
0x9c: {  	[spmem:s3] =	stream.indirect.scatter.add.f32 [tilespmem:s17], [sflag:$0x2], $0x80, s10, s29, $0xb8;
	[tilespmem:$0x1E400] =	vst v63  }
0x9d: {  	_ =	swait.ge [sflag:s14], $0x4000  }
0x9e: {  	[sflag:s14] =	ssyncset.done $0x0  }
0x9f: {  	[sflag:s14] =	ssyncadd.s32 $0xFFFFC000  }
0xa0: {  	_ =	swait.ge [sflag:s23], $0x4000  }
0xa1: {  	[sflag:s23] =	ssyncset.done $0x0  }
0xa2: {  	s15 =	simm.s32 $0x100;
	[sflag:s23] =	ssyncadd.s32 $0xFFFFC000  }
0xa3: {  	[tilespmem:s17], [sflag:$0x1] =	stream.indirect.gather [hbm4b:s1+s16], $0x80, s15, s16, $0xb8;
	[tilespmem:$0x1E400] =	vst v63  }
0xa4: {  	s10 =	simm.s32 $0x120  }
0xa5: {  	[tilespmem:s18], [sflag:$0x1] =	stream.indirect.gather [hbm4b:s1+s16], $0x80, s10, s16, $0xb8;
	[tilespmem:$0x1E400] =	vst v63  }
0xa6: {  	s15 =	simm.s32 $0x140  }
0xa7: {  	[tilespmem:s20], [sflag:$0x1] =	stream.indirect.gather [hbm4b:s1+s16], $0x80, s15, s16, $0xb8;
	[tilespmem:$0x1E400] =	vst v63  }
0xa8: {  	s10 =	simm.s32 $0x160  }
0xa9: {  	[tilespmem:s22], [sflag:$0x1] =	stream.indirect.gather [hbm4b:s1+s16], $0x80, s10, s16, $0xb8;
	[tilespmem:$0x1E400] =	vst v63  }
0xaa: {  	s15 =	simm.s32 $0x1480  }
0xab: {  	[spmem:s3] =	stream.indirect.scatter.add.f32 [tilespmem:s24], [sflag:$0x2], $0x80, s15, s29, $0xb8;
	[tilespmem:$0x1E400] =	vst v63  }
0xac: {  	_ =	swait.ge [sflag:s14], $0x4000  }
0xad: {  	s9 =	simm.s32 $0x400;
	[sflag:s14] =	ssyncset.done $0x0  }
.LBB2_4:
0xae: {  	p0 =	sne.s32 s9, $0x4800  }
0xaf: {  	[sflag:s14] =	ssyncadd.s32 $0xFFFFC000;
	s10 =	smov.u32 s9;
	s9 =	sadd.s32 $0x400, s9  }
0xb0: {  	_ = 	snop  }
0xb1: {  	_ =	swait.ge [sflag:s23], $0x4000  }
0xb2: {  	s10 =	sshra.s32 s10, $0x2;
	[sflag:s23] =	ssyncset.done $0x0  }
0xb3: {  	s15 =	sadd.s32 $0x80, s10;
	[sflag:s23] =	ssyncadd.s32 $0xFFFFC000  }
0xb4: {  	[tilespmem:s24], [sflag:$0x1] =	stream.indirect.gather [hbm4b:s1+s16], $0x80, s15, s16, $0xb8;
	[tilespmem:$0x1E400] =	vst v63  }
0xb5: {  	s15 =	sadd.s32 $0xA0, s10  }
0xb6: {  	[tilespmem:s25], [sflag:$0x1] =	stream.indirect.gather [hbm4b:s1+s16], $0x80, s15, s16, $0xb8;
	[tilespmem:$0x1E400] =	vst v63  }
0xb7: {  	s15 =	sadd.s32 $0xC0, s10  }
0xb8: {  	[tilespmem:s26], [sflag:$0x1] =	stream.indirect.gather [hbm4b:s1+s16], $0x80, s15, s16, $0xb8;
	[tilespmem:$0x1E400] =	vst v63  }
0xb9: {  	s15 =	sadd.s32 $0xE0, s10  }
0xba: {  	[tilespmem:s28], [sflag:$0x1] =	stream.indirect.gather [hbm4b:s1+s16], $0x80, s15, s16, $0xb8;
	[tilespmem:$0x1E400] =	vst v63  }
0xbb: {  	s15 =	sadd.s32 $0x1400, s10  }
0xbc: {  	[spmem:s3] =	stream.indirect.scatter.add.f32 [tilespmem:s17], [sflag:$0x2], $0x80, s15, s29, $0xb8;
	[tilespmem:$0x1E400] =	vst v63  }
0xbd: {  	_ =	swait.ge [sflag:s14], $0x4000  }
0xbe: {  	[sflag:s14] =	ssyncset.done $0x0  }
0xbf: {  	[sflag:s14] =	ssyncadd.s32 $0xFFFFC000  }
0xc0: {  	_ =	swait.ge [sflag:s23], $0x4000  }
0xc1: {  	[sflag:s23] =	ssyncset.done $0x0  }
0xc2: {  	s15 =	sadd.s32 $0x100, s10;
	[sflag:s23] =	ssyncadd.s32 $0xFFFFC000  }
0xc3: {  	[tilespmem:s17], [sflag:$0x1] =	stream.indirect.gather [hbm4b:s1+s16], $0x80, s15, s16, $0xb8;
	[tilespmem:$0x1E400] =	vst v63  }
0xc4: {  	s15 =	sadd.s32 $0x120, s10  }
0xc5: {  	[tilespmem:s18], [sflag:$0x1] =	stream.indirect.gather [hbm4b:s1+s16], $0x80, s15, s16, $0xb8;
	[tilespmem:$0x1E400] =	vst v63  }
0xc6: {  	s15 =	sadd.s32 $0x140, s10  }
0xc7: {  	[tilespmem:s20], [sflag:$0x1] =	stream.indirect.gather [hbm4b:s1+s16], $0x80, s15, s16, $0xb8;
	[tilespmem:$0x1E400] =	vst v63  }
0xc8: {  	s15 =	sadd.s32 $0x160, s10  }
0xc9: {  	[tilespmem:s22], [sflag:$0x1] =	stream.indirect.gather [hbm4b:s1+s16], $0x80, s15, s16, $0xb8;
	[tilespmem:$0x1E400] =	vst v63  }
.Ltmp1:
0xca: {  	_ = 	snop;
	(pc) =	sbr.rel @p0 .LBB2_4-.Ltmp1, $4  }
0xcb: {  	s10 =	sadd.s32 $0x1480, s10  }
0xcc: {  	[spmem:s3] =	stream.indirect.scatter.add.f32 [tilespmem:s24], [sflag:$0x2], $0x80, s10, s29, $0xb8;
	[tilespmem:$0x1E400] =	vst v63  }
0xcd: {  	_ =	swait.ge [sflag:s14], $0x4000  }
0xce: {  	[sflag:s14] =	ssyncset.done $0x0  }
0xcf: {  	[sflag:s14] =	ssyncadd.s32 $0xFFFFC000  }
0xd0: {  	_ =	swait.ge [sflag:s23], $0x4000  }
0xd1: {  	[sflag:s23] =	ssyncset.done $0x0  }
0xd2: {  	[sflag:s23] =	ssyncadd.s32 $0xFFFFC000  }
0xd3: {  	[tilespmem:s24], [sflag:$0x1] =	stream.indirect.gather [hbm4b:s1+s16], $0x80, s30, s16, $0xb8;
	[tilespmem:$0x1E400] =	vst v63  }
0xd4: {  	_ = 	snop  }
0xd5: {  	[tilespmem:s25], [sflag:$0x1] =	stream.indirect.gather [hbm4b:s1+s16], $0x80, s31, s16, $0xb8;
	[tilespmem:$0x1E400] =	vst v63  }
0xd6: {  	_ = 	snop  }
0xd7: {  	[tilespmem:s26], [sflag:$0x1] =	stream.indirect.gather [hbm4b:s1+s16], $0x80, s2, s16, $0xb8;
	[tilespmem:$0x1E400] =	vst v63  }
0xd8: {  	_ = 	snop  }
0xd9: {  	[tilespmem:s28], [sflag:$0x1] =	stream.indirect.gather [hbm4b:s1+s16], $0x80, s0, s16, $0xb8;
	[tilespmem:$0x1E400] =	vst v63  }
0xda: {  	_ = 	snop  }
0xdb: {  	[spmem:s3] =	stream.indirect.scatter.add.f32 [tilespmem:s17], [sflag:$0x2], $0x80, s5, s29, $0xb8;
	[tilespmem:$0x1E400] =	vst v63  }
0xdc: {  	_ =	swait.ge [sflag:s14], $0x4000  }
0xdd: {  	[sflag:s14] =	ssyncset.done $0x0  }
0xde: {  	[sflag:s14] =	ssyncadd.s32 $0xFFFFC000  }
0xdf: {  	_ =	swait.ge [sflag:s23], $0x4000  }
0xe0: {  	[sflag:s23] =	ssyncset.done $0x0  }
0xe1: {  	[sflag:s23] =	ssyncadd.s32 $0xFFFFC000  }
0xe2: {  	[spmem:s3] =	stream.indirect.scatter.add.f32 [tilespmem:s24], [sflag:$0x2], $0x80, s7, s29, $0xb8;
	[tilespmem:$0x1E400] =	vst v63  }
0xe3: {  	_ =	swait.ge [sflag:s14], $0x4000  }
0xe4: {  	[sflag:s14] =	ssyncset.done $0x0  }
0xe5: {  	[sflag:s14] =	ssyncadd.s32 $0xFFFFC000  }
0xe6: {  	[bflag:$0x0] =	sbarrier.arrive $0xFFFF  }
0xe7: {  	s9 =	rddreg [dreg:$0x5]  }
0xe8: {  	[hbm:s9], [sflag:s6] =	dma.local [spmem:s13], $0x2780  }
0xe9: {  	_ =	swait.ge [sflag:s14], $0x2780  }
0xea: {  	s8 =	sadd.s32 $0x1, s8;
	s15 =	rddreg [dreg:$0x6]  }
0xeb: {  	p0 =	sne.s32 s8, s15  }
.Ltmp2:
0xec: {  	_ = 	snop;
	(pc) =	sbr.rel @p0 .LBB2_1-.Ltmp2, $3  }
0xed: {  	_ =	sdelay $0x1  }
0xee: {  	[sflag:s14] =	ssyncset.done $0x0  }
0xef: {  	[sflag:s14] =	ssyncadd.s32 $0xFFFFD880  }
0xf0: {  	_ =	sfence.sel $0x180000  }
0xf1: {  	[bflag:$0x0] =	sbarrier.arrive $0xFFFF  }
0xf2: {  	_ =	strace $0x9000004A  }
0xf3: {  	s0 =	stileid.u32;
	[bflag:$0x2] =	sbarrier.arrive $0xFFFF  }
0xf4: {  	p0 =	sne.s32 s0, $0x0;
	s0 =	rddreg [dreg:$0x3]  }
0xf5: {  	s0 =	sadd.s32 @!p0 $0x100000, s0  }
0xf6: {  	[sflag:s0] =	ssyncadd.tile.s32 @!p0 $0x1;
	_ =	shalt  }
.Lfunc_end2:
_tile_overlayer_lowered:
.L_overlay_start_2:
0xf7: {  	(tag) =	ssettag $0x2  }
0xf8: {  	s0 =	rddreg [dreg:$0x0];
	s2 =	stileid.u32  }
0xf9: {  	s1 =	rddreg [dreg:$0x1];
	p0 =	sne.s32 s2, $0x0  }
0xfa: {  	s3 =	rddreg [dreg:$0x2];
	[bflag:$0x3] =	sbarrier.arrive $0xFFFF;
	s2 =	simm.s32 @!p0 $0x1C02  }
0xfb: {  	[timem:s3], [sflag:s2] =	dma.local @!p0 [hbm:s0], s1  }
0xfc: {  	s0 =	simm.s32 @!p0 $0x2  }
0xfd: {  	_ =	swait.ge @!p0 [sflag:s0], s1  }
0xfe: {  	s1 =	ssub.s32 @!p0 $0x0, s1;
	[sflag:s0] =	ssyncset.done @!p0 $0x0  }
0xff: {  	[sflag:s0] =	ssyncadd.s32 @!p0 s1  }
0x100: {  	[bflag:$0x3] =	sbarrier.arrive $0xFFFF  }
0x101: {  	_ =	shalt  }

</sc_bundles>
